<compile_context>
chip_gen: v7x
topology: tpu7x:2x2x1
jax: 0.10.2.dev20260603
libtpu: 0.0.44.dev20260713+nightly
codegen_flags: <defaults>
</compile_context>

<pallas_src>
import functools

import jax
import jax.numpy as jnp
from jax import lax
from jax.experimental import pallas as pl
from jax.experimental.pallas import tpu as pltpu
from jax.experimental.pallas import tpu_sc as plsc

_B, _S, _H, _E = 2, 2048, 768, 8
_N = _B * _S
_TILE = 512
_NT = _N // _TILE
_T1 = 1024
_NT1 = _N // _T1
_NC, _NS, _L = 2, 16, 16
_NW = _NC * _NS
_TPW = _N // _NW
_WPB = _S // _TPW


def _router_body(x_ref, w1_ref, b1_ref, w2_ref, b2_ref,
                 eid_ref, rank_ref, offs_ref, run_ref, triu_ref):
    t = pl.program_id(0)

    @pl.when(t == 0)
    def _init():
        run_ref[...] = jnp.zeros_like(run_ref)
        ri = lax.broadcasted_iota(jnp.int32, (_T1, _T1), 0)
        ci = lax.broadcasted_iota(jnp.int32, (_T1, _T1), 1)
        triu_ref[...] = (ri < ci).astype(jnp.float32)

    x = x_ref[0]
    h = jnp.dot(x, w1_ref[...], preferred_element_type=jnp.float32)
    h = jnp.maximum(h + b1_ref[...], 0.0)
    s = jnp.dot(h, w2_ref[...], preferred_element_type=jnp.float32)
    s = s + b2_ref[...]

    st = s.T
    smax = jnp.max(st, axis=0, keepdims=True)
    rowi = lax.broadcasted_iota(jnp.int32, (_E, _T1), 0)
    eid = jnp.min(jnp.where(st == smax, rowi, _E), axis=0)
    eid_ref[0, 0, :] = eid

    onehot = (rowi == eid[None, :]).astype(jnp.float32)
    excl = jnp.dot(onehot, triu_ref[...], preferred_element_type=jnp.float32)
    run = run_ref[...]
    rank = jnp.sum(onehot * (excl + run), axis=0)
    rank_ref[0, 0, :] = rank.astype(jnp.int32)

    counts = jnp.dot(onehot, jnp.ones((_T1, 1), jnp.float32),
                     preferred_element_type=jnp.float32)
    new_run = run + counts
    run_ref[...] = new_run

    er = lax.broadcasted_iota(jnp.int32, (_E, _E), 0)
    ec = lax.broadcasted_iota(jnp.int32, (_E, _E), 1)
    ltm = (ec < er).astype(jnp.float32)
    offs = jnp.dot(ltm, new_run, preferred_element_type=jnp.float32,
                   precision=lax.Precision.HIGHEST)
    offs_ref[...] = offs


def _router_call(hs, w1, b1, w2, b2):
    return pl.pallas_call(
        _router_body,
        grid=(_NT1,),
        in_specs=[
            pl.BlockSpec((1, _T1, _H), lambda t: (t // (_S // _T1),
                                                  t % (_S // _T1), 0)),
            pl.BlockSpec((_H, _H // 2), lambda t: (0, 0)),
            pl.BlockSpec((1, _H // 2), lambda t: (0, 0)),
            pl.BlockSpec((_H // 2, _E), lambda t: (0, 0)),
            pl.BlockSpec((1, _E), lambda t: (0, 0)),
        ],
        out_specs=[
            pl.BlockSpec((1, 1, _T1), lambda t: (t, 0, 0)),
            pl.BlockSpec((1, 1, _T1), lambda t: (t, 0, 0)),
            pl.BlockSpec((_E, 1), lambda t: (0, 0)),
        ],
        out_shape=[
            jax.ShapeDtypeStruct((_NT1, 1, _T1), jnp.int32),
            jax.ShapeDtypeStruct((_NT1, 1, _T1), jnp.int32),
            jax.ShapeDtypeStruct((_E, 1), jnp.float32),
        ],
        scratch_shapes=[pltpu.VMEM((_E, 1), jnp.float32),
                        pltpu.VMEM((_T1, _T1), jnp.float32)],
    )(hs, w1, b1, w2, b2)


def _dispatch_body(x_hbm, eid_hbm, rank_hbm, offs_hbm,
                   perm_hbm, pos_hbm,
                   eid_v, rank_v, offs_v, pos_v, rows_v, sem_rows, sem_idx):
    wid = lax.axis_index("s") * _NC + lax.axis_index("c")
    base = wid * _TPW
    b, s0 = wid // _WPB, (wid % _WPB) * _TPW
    rows_cp = pltpu.async_copy(x_hbm.at[b, pl.ds(s0, _TPW)], rows_v, sem_rows)
    cp_e = pltpu.async_copy(eid_hbm.at[pl.ds(base, _TPW)], eid_v, sem_idx)
    cp_r = pltpu.async_copy(rank_hbm.at[pl.ds(base, _TPW)], rank_v, sem_idx)
    cp_o = pltpu.async_copy(offs_hbm, offs_v, sem_idx)
    cp_e.wait()
    cp_r.wait()
    cp_o.wait()
    offs_s = [offs_v[pl.ds(e * _L, _L)] for e in range(_E)]
    for i in range(_TPW // _L):
        ev = eid_v[pl.ds(i * _L, _L)]
        pos = rank_v[pl.ds(i * _L, _L)]
        for e in range(_E):
            pos = jnp.where(ev == e, pos + offs_s[e], pos)
        pos_v[pl.ds(i * _L, _L)] = pos
    pltpu.sync_copy(pos_v, pos_hbm.at[pl.ds(base, _TPW)])
    rows_cp.wait()
    pltpu.sync_copy(rows_v, perm_hbm.at[pos_v])


@functools.cache
def _dispatch_call():
    return pl.kernel(
        _dispatch_body,
        out_type=[
            jax.ShapeDtypeStruct((_N, _H), jnp.float32),
            jax.ShapeDtypeStruct((_N,), jnp.int32),
        ],
        mesh=plsc.VectorSubcoreMesh(core_axis_name="c", subcore_axis_name="s"),
        scratch_types=[
            pltpu.VMEM((_TPW,), jnp.int32),
            pltpu.VMEM((_TPW,), jnp.int32),
            pltpu.VMEM((_E * _L,), jnp.int32),
            pltpu.VMEM((_TPW,), jnp.int32),
            pltpu.VMEM((_TPW, _H), jnp.float32),
            pltpu.SemaphoreType.DMA,
            pltpu.SemaphoreType.DMA,
        ],
    )


def _moe_body(offs_ref, x_ref, w_ref, b_ref, out_ref):
    t = pl.program_id(0)
    base = t * _TILE
    rows = base + lax.broadcasted_iota(jnp.int32, (_TILE, 1), 0)
    xbf = x_ref[...].astype(jnp.bfloat16)
    for e in range(_E):
        start = offs_ref[e]
        end = offs_ref[e + 1] if e + 1 < _E else _N

        @pl.when(jnp.logical_and(start < base + _TILE, end > base))
        def _apply(e=e, start=start, end=end):
            m = jnp.logical_and(rows >= start, rows < end)
            part = jnp.dot(xbf, w_ref[e], preferred_element_type=jnp.float32)
            out_ref[...] = jnp.where(m, part + b_ref[e], out_ref[...])


def _moe_call(offs, xs, w, b):
    grid_spec = pltpu.PrefetchScalarGridSpec(
        num_scalar_prefetch=1,
        grid=(_NT,),
        in_specs=[
            pl.BlockSpec((_TILE, _H), lambda t, offs: (t, 0)),
            pl.BlockSpec((_E, _H, _H), lambda t, offs: (0, 0, 0)),
            pl.BlockSpec((_E, _H), lambda t, offs: (0, 0)),
        ],
        out_specs=pl.BlockSpec((_TILE, _H), lambda t, offs: (t, 0)),
    )
    return pl.pallas_call(
        _moe_body,
        grid_spec=grid_spec,
        out_shape=jax.ShapeDtypeStruct((_N, _H), jnp.float32),
    )(offs, xs, w, b)


def _combine_body(y_hbm, pos_hbm, out_hbm, pos_v, rows_v, sem):
    wid = lax.axis_index("s") * _NC + lax.axis_index("c")
    base = wid * _TPW
    b, s0 = wid // _WPB, (wid % _WPB) * _TPW
    pltpu.sync_copy(pos_hbm.at[pl.ds(base, _TPW)], pos_v)
    pltpu.async_copy(y_hbm.at[pos_v], rows_v, sem).wait()
    pltpu.sync_copy(rows_v, out_hbm.at[b, pl.ds(s0, _TPW)])


@functools.cache
def _combine_call():
    return pl.kernel(
        _combine_body,
        out_type=jax.ShapeDtypeStruct((_B, _S, _H), jnp.float32),
        mesh=plsc.VectorSubcoreMesh(core_axis_name="c", subcore_axis_name="s"),
        scratch_types=[
            pltpu.VMEM((_TPW,), jnp.int32),
            pltpu.VMEM((_TPW, _H), jnp.float32),
            pltpu.SemaphoreType.DMA,
        ],
    )


def kernel(hidden_states, W1, b1, W2, b2, expert_W, expert_b):
    eid3, rank3, offs_f = _router_call(
        hidden_states, W1, b1.reshape(1, -1), W2, b2.reshape(1, -1))
    offs = offs_f.reshape(_E).astype(jnp.int32)
    offs_b = jnp.repeat(offs, _L)
    eid = eid3.reshape(_N)
    rank = rank3.reshape(_N)
    perm_x, pos = _dispatch_call()(hidden_states, eid, rank, offs_b)
    y = _moe_call(offs, perm_x, expert_W.astype(jnp.bfloat16), expert_b)
    return _combine_call()(y, pos)

# --- scband reference (transcript-rebuilt; emitter-appended) ---
"""Pipeline reference for scband-advanced-pi-mo-esystem-8555574854217 (READ-ONLY COPY).

The authoritative reference and input builder live on the scoring server;
editing this copy changes nothing except your own understanding.
"""

import jax, jax.numpy as jnp
import numpy as np

B, S, H, E = 2, 2048, 768, 8
TEMPERATURE = 1.0


def setup_inputs(seed=0) -> dict:
    key = jax.random.key(seed)
    ks = jax.random.split(key, 8)
    hidden_states = jax.random.normal(ks[0], (B, S, H), dtype=jnp.float32)
    # routing_network params: Linear(H, H//2) -> ReLU -> Dropout(eval) -> Linear(H//2, E)
    W1 = jax.random.normal(ks[1], (H, H // 2), dtype=jnp.float32) * 0.02
    b1 = jnp.zeros((H // 2,), dtype=jnp.float32)
    W2 = jax.random.normal(ks[2], (H // 2, E), dtype=jnp.float32) * 0.02
    b2 = jnp.zeros((E,), dtype=jnp.float32)
    # per-expert transform + bias (torch code drew these with randn each call;
    # here materialized once as fixed parameters for determinism)
    expert_W = jax.random.normal(ks[3], (E, H, H), dtype=jnp.float32) * 0.02
    expert_b = jax.random.normal(ks[4], (E, H), dtype=jnp.float32) * 0.02
    return {"hidden_states": hidden_states, "W1": W1, "b1": b1, "W2": W2, "b2": b2, "expert_W": expert_W, "expert_b": expert_b}


def reference(hidden_states, W1, b1, W2, b2, expert_W, expert_b):
    # routing_network forward (dropout is identity in eval)
    h = jnp.maximum(jnp.matmul(hidden_states, W1) + b1, 0.0)
    combined_attention = jnp.matmul(h, W2) + b2  # [B, S, E]
    routing_scores = combined_attention / TEMPERATURE
    expert_probs = jax.nn.softmax(routing_scores, axis=-1)
    top_scores, top_idx = jax.lax.top_k(expert_probs, 1)  # k=1
    # _apply_expert_routing: one-hot mask, dense per-expert transform, masked accumulate
    num_experts = expert_W.shape[0]
    expert_weights = jax.nn.one_hot(top_idx[..., 0], num_experts, dtype=hidden_states.dtype)  # [B, S, E]

    def body(e, routed):
        mask = jax.lax.dynamic_slice_in_dim(expert_weights, e, 1, axis=2)  # [B, S, 1]
        expert_input = hidden_states * mask
        expert_output = jnp.matmul(expert_input, expert_W[e]) + expert_b[e]
        return routed + expert_output * mask

    routed = jax.lax.fori_loop(0, num_experts, body, jnp.zeros_like(hidden_states))
    return routed

if __name__ == "__main__":
    import jax
    _d = setup_inputs()
    print(jax.jit(kernel)(*tuple(_d.values())))

</pallas_src>

<mosaic_0001>
#map = affine_map<(d0, d1) -> (0, 0)>
#map1 = affine_map<(d0, d1) -> (0)>
#map2 = affine_map<(d0, d1) -> (0, 0, 0)>
module attributes {stable_mosaic.version = 14 : i64} {
  func.func @_combine_body(%arg0: i32, %arg1: i32, %arg2: memref<4096x768xf32, #tpu.memory_space<hbm>>, %arg3: memref<4096xi32, #tpu.memory_space<hbm>>, %arg4: memref<2x2048x768xf32, #tpu.memory_space<hbm>>, %arg5: memref<128xi32, #tpu.memory_space<vmem>>, %arg6: memref<128x768xf32, #tpu.memory_space<vmem>>, %arg7: memref<!tpu.dma_semaphore, #tpu.memory_space<semaphore_mem>>) attributes {dimension_semantics = [#tpu.dimension_semantics<core_parallel>, #tpu.dimension_semantics<subcore_parallel>], iteration_bounds = array<i64: 2, 16>, scalar_prefetch = 0 : i64, scratch_operands = 3 : i64, tpu.core_type = #tpu.core_type<sc_vector_subcore>, window_params = [{transform_indices = #map}, {transform_indices = #map1}, {transform_indices = #map2}]} {
    %mul3A = arith.constant 2 : i32
    %mul3A_0 = arith.muli %arg1, %mul3A : i32
    %add3A = arith.addi %mul3A_0, %arg0 : i32
    %mul3A_1 = arith.constant 128 : i32
    %mul3A_2 = arith.muli %add3A, %mul3A_1 : i32
    %jit3A = arith.constant 16 : i32
    %div3A = arith.divsi %add3A, %jit3A : i32
    %sign3A = arith.constant 0 : i32
    %sign3A_3 = arith.cmpi sgt, %add3A, %sign3A : i32
    %sign3A_4 = arith.extui %sign3A_3 : i1 to i32
    %sign3A_5 = arith.constant 0 : i32
    %sign3A_6 = arith.cmpi slt, %add3A, %sign3A_5 : i32
    %sign3A_7 = arith.extui %sign3A_6 : i1 to i32
    %sign3A_8 = arith.subi %sign3A_4, %sign3A_7 : i32
    %sign3A_9 = arith.constant 0 : i32
    %sign3A_10 = arith.cmpi sgt, %jit3A, %sign3A_9 : i32
    %sign3A_11 = arith.extui %sign3A_10 : i1 to i32
    %sign3A_12 = arith.constant 0 : i32
    %sign3A_13 = arith.cmpi slt, %jit3A, %sign3A_12 : i32
    %sign3A_14 = arith.extui %sign3A_13 : i1 to i32
    %sign3A_15 = arith.subi %sign3A_11, %sign3A_14 : i32
    %ne3A = arith.cmpi ne, %sign3A_8, %sign3A_15 : i32
    %rem3A = arith.remsi %add3A, %jit3A : i32
    %ne3A_16 = arith.constant 0 : i32
    %ne3A_17 = arith.cmpi ne, %rem3A, %ne3A_16 : i32
    %and3A = arith.andi %ne3A, %ne3A_17 : i1
    %sub3A = arith.constant 1 : i32
    %sub3A_18 = arith.subi %div3A, %sub3A : i32
    %select_n3A = arith.select %and3A, %sub3A_18, %div3A : i32
    %jit3A_19 = arith.constant 16 : i32
    %eq3A = arith.constant 0 : i32
    %eq3A_20 = arith.cmpi eq, %jit3A_19, %eq3A : i32
    %jit3A_21 = arith.constant 1 : i32
    %select_n3A_22 = arith.select %eq3A_20, %jit3A_21, %jit3A_19 : i32
    %rem3A_23 = arith.remsi %add3A, %select_n3A_22 : i32
    %ne3A_24 = arith.constant 0 : i32
    %ne3A_25 = arith.cmpi ne, %rem3A_23, %ne3A_24 : i32
    %lt3A = arith.constant 0 : i32
    %lt3A_26 = arith.cmpi slt, %rem3A_23, %lt3A : i32
    %lt3A_27 = arith.constant 0 : i32
    %lt3A_28 = arith.cmpi slt, %select_n3A_22, %lt3A_27 : i32
    %ne3A_29 = arith.xori %lt3A_26, %lt3A_28 : i1
    %and3A_30 = arith.andi %ne3A_29, %ne3A_25 : i1
    %add3A_31 = arith.addi %rem3A_23, %select_n3A_22 : i32
    %select_n3A_32 = arith.select %and3A_30, %add3A_31, %rem3A_23 : i32
    %mul3A_33 = arith.constant 128 : i32
    %mul3A_34 = arith.muli %select_n3A_32, %mul3A_33 : i32
    "tpu.region"() ({
      %run_scoped3A = tpu.sem_alloc : memref<!tpu.dma_semaphore, #tpu.memory_space<semaphore_mem>>
      %dma_start3A_39 = tpu.memref_slice %arg3[%mul3A_2] : memref<4096xi32, #tpu.memory_space<hbm>> -> memref<128xi32, #tpu.memory_space<hbm>>
      %dma_start3A_40 = tpu.memref_slice %arg3[%mul3A_2] : memref<4096xi32, #tpu.memory_space<hbm>> -> memref<128xi32, #tpu.memory_space<hbm>>
      tpu.enqueue_dma source(%dma_start3A_40 : memref<128xi32, #tpu.memory_space<hbm>>) target(%arg5 : memref<128xi32, #tpu.memory_space<vmem>>) target_semaphore(%run_scoped3A : memref<!tpu.dma_semaphore, #tpu.memory_space<semaphore_mem>>)
      %dma_wait3A_41 = tpu.memref_slice %arg3[%mul3A_2] : memref<4096xi32, #tpu.memory_space<hbm>> -> memref<128xi32, #tpu.memory_space<hbm>>
      %dma_wait3A_42 = tpu.memref_slice %arg3[%mul3A_2] : memref<4096xi32, #tpu.memory_space<hbm>> -> memref<128xi32, #tpu.memory_space<hbm>>
      tpu.wait_dma2 semaphore(%run_scoped3A : memref<!tpu.dma_semaphore, #tpu.memory_space<semaphore_mem>>) src(%dma_wait3A_42 : memref<128xi32, #tpu.memory_space<hbm>>) dst(%arg5 : memref<128xi32, #tpu.memory_space<vmem>>)
      tpu.yield
    }) : () -> ()
    %dma_start3A = arith.constant 0 : i32
    %dma_start3A_35 = arith.constant 0 : i32
    %dma_start3A_36 = tpu.memref_slice %arg2[%dma_start3A, %dma_start3A_35] : memref<4096x768xf32, #tpu.memory_space<hbm>> -> memref<4096x768xf32, #tpu.memory_space<hbm>>
    tpu.enqueue_indirect_dma source(%dma_start3A_36 : memref<4096x768xf32, #tpu.memory_space<hbm>>) target(%arg6 : memref<128x768xf32, #tpu.memory_space<vmem>>) offsets(%arg5 : memref<128xi32, #tpu.memory_space<vmem>>) semaphore(%arg7 : memref<!tpu.dma_semaphore, #tpu.memory_space<semaphore_mem>>)
    %dma_wait3A = arith.constant 0 : i32
    %dma_wait3A_37 = arith.constant 0 : i32
    %dma_wait3A_38 = tpu.memref_slice %arg2[%dma_wait3A, %dma_wait3A_37] : memref<4096x768xf32, #tpu.memory_space<hbm>> -> memref<4096x768xf32, #tpu.memory_space<hbm>>
    tpu.wait_indirect_dma semaphore(%arg7 : memref<!tpu.dma_semaphore, #tpu.memory_space<semaphore_mem>>) src(%dma_wait3A_38 : memref<4096x768xf32, #tpu.memory_space<hbm>>) dst(%arg6 : memref<128x768xf32, #tpu.memory_space<vmem>>)
    "tpu.region"() ({
      %run_scoped3A = tpu.sem_alloc : memref<!tpu.dma_semaphore, #tpu.memory_space<semaphore_mem>>
      %dma_start3A_39 = arith.constant 0 : i32
      %dma_start3A_40 = tpu.memref_slice %arg4[%select_n3A, %mul3A_34, %dma_start3A_39] : memref<2x2048x768xf32, #tpu.memory_space<hbm>> -> memref<1x128x768xf32, #tpu.memory_space<hbm>>
      %dma_start3A_41 = tpu.memref_squeeze %dma_start3A_40 : memref<1x128x768xf32, #tpu.memory_space<hbm>> -> memref<128x768xf32, #tpu.memory_space<hbm>>
      %dma_start3A_42 = arith.constant 0 : i32
      %dma_start3A_43 = tpu.memref_slice %arg4[%select_n3A, %mul3A_34, %dma_start3A_42] : memref<2x2048x768xf32, #tpu.memory_space<hbm>> -> memref<1x128x768xf32, #tpu.memory_space<hbm>>
      %dma_start3A_44 = tpu.memref_squeeze %dma_start3A_43 : memref<1x128x768xf32, #tpu.memory_space<hbm>> -> memref<128x768xf32, #tpu.memory_space<hbm>>
      tpu.enqueue_dma source(%arg6 : memref<128x768xf32, #tpu.memory_space<vmem>>) target(%dma_start3A_44 : memref<128x768xf32, #tpu.memory_space<hbm>>) target_semaphore(%run_scoped3A : memref<!tpu.dma_semaphore, #tpu.memory_space<semaphore_mem>>)
      %dma_wait3A_45 = arith.constant 0 : i32
      %dma_wait3A_46 = tpu.memref_slice %arg4[%select_n3A, %mul3A_34, %dma_wait3A_45] : memref<2x2048x768xf32, #tpu.memory_space<hbm>> -> memref<1x128x768xf32, #tpu.memory_space<hbm>>
      %dma_wait3A_47 = tpu.memref_squeeze %dma_wait3A_46 : memref<1x128x768xf32, #tpu.memory_space<hbm>> -> memref<128x768xf32, #tpu.memory_space<hbm>>
      %dma_wait3A_48 = arith.constant 0 : i32
      %dma_wait3A_49 = tpu.memref_slice %arg4[%select_n3A, %mul3A_34, %dma_wait3A_48] : memref<2x2048x768xf32, #tpu.memory_space<hbm>> -> memref<1x128x768xf32, #tpu.memory_space<hbm>>
      %dma_wait3A_50 = tpu.memref_squeeze %dma_wait3A_49 : memref<1x128x768xf32, #tpu.memory_space<hbm>> -> memref<128x768xf32, #tpu.memory_space<hbm>>
      tpu.wait_dma2 semaphore(%run_scoped3A : memref<!tpu.dma_semaphore, #tpu.memory_space<semaphore_mem>>) src(%arg6 : memref<128x768xf32, #tpu.memory_space<vmem>>) dst(%dma_wait3A_50 : memref<128x768xf32, #tpu.memory_space<hbm>>)
      tpu.yield
    }) : () -> ()
    return
  }
}

#map = affine_map<(d0, d1) -> (0, 0, 0)>
#map1 = affine_map<(d0, d1) -> (0)>
#map2 = affine_map<(d0, d1) -> (0, 0)>
module attributes {stable_mosaic.version = 14 : i64} {
  func.func @_dispatch_body(%arg0: i32, %arg1: i32, %arg2: memref<2x2048x768xf32, #tpu.memory_space<hbm>>, %arg3: memref<4096xi32, #tpu.memory_space<hbm>>, %arg4: memref<4096xi32, #tpu.memory_space<hbm>>, %arg5: memref<128xi32, #tpu.memory_space<hbm>>, %arg6: memref<4096x768xf32, #tpu.memory_space<hbm>>, %arg7: memref<4096xi32, #tpu.memory_space<hbm>>, %arg8: memref<128xi32, #tpu.memory_space<vmem>>, %arg9: memref<128xi32, #tpu.memory_space<vmem>>, %arg10: memref<128xi32, #tpu.memory_space<vmem>>, %arg11: memref<128xi32, #tpu.memory_space<vmem>>, %arg12: memref<128x768xf32, #tpu.memory_space<vmem>>, %arg13: memref<!tpu.dma_semaphore, #tpu.memory_space<semaphore_mem>>, %arg14: memref<!tpu.dma_semaphore, #tpu.memory_space<semaphore_mem>>) attributes {dimension_semantics = [#tpu.dimension_semantics<core_parallel>, #tpu.dimension_semantics<subcore_parallel>], iteration_bounds = array<i64: 2, 16>, scalar_prefetch = 0 : i64, scratch_operands = 7 : i64, tpu.core_type = #tpu.core_type<sc_vector_subcore>, window_params = [{transform_indices = #map}, {transform_indices = #map1}, {transform_indices = #map1}, {transform_indices = #map1}, {transform_indices = #map2}, {transform_indices = #map1}]} {
    %mul3A = arith.constant 2 : i32
    %mul3A_0 = arith.muli %arg1, %mul3A : i32
    %add3A = arith.addi %mul3A_0, %arg0 : i32
    %mul3A_1 = arith.constant 128 : i32
    %mul3A_2 = arith.muli %add3A, %mul3A_1 : i32
    %jit3A = arith.constant 16 : i32
    %div3A = arith.divsi %add3A, %jit3A : i32
    %sign3A = arith.constant 0 : i32
    %sign3A_3 = arith.cmpi sgt, %add3A, %sign3A : i32
    %sign3A_4 = arith.extui %sign3A_3 : i1 to i32
    %sign3A_5 = arith.constant 0 : i32
    %sign3A_6 = arith.cmpi slt, %add3A, %sign3A_5 : i32
    %sign3A_7 = arith.extui %sign3A_6 : i1 to i32
    %sign3A_8 = arith.subi %sign3A_4, %sign3A_7 : i32
    %sign3A_9 = arith.constant 0 : i32
    %sign3A_10 = arith.cmpi sgt, %jit3A, %sign3A_9 : i32
    %sign3A_11 = arith.extui %sign3A_10 : i1 to i32
    %sign3A_12 = arith.constant 0 : i32
    %sign3A_13 = arith.cmpi slt, %jit3A, %sign3A_12 : i32
    %sign3A_14 = arith.extui %sign3A_13 : i1 to i32
    %sign3A_15 = arith.subi %sign3A_11, %sign3A_14 : i32
    %ne3A = arith.cmpi ne, %sign3A_8, %sign3A_15 : i32
    %rem3A = arith.remsi %add3A, %jit3A : i32
    %ne3A_16 = arith.constant 0 : i32
    %ne3A_17 = arith.cmpi ne, %rem3A, %ne3A_16 : i32
    %and3A = arith.andi %ne3A, %ne3A_17 : i1
    %sub3A = arith.constant 1 : i32
    %sub3A_18 = arith.subi %div3A, %sub3A : i32
    %select_n3A = arith.select %and3A, %sub3A_18, %div3A : i32
    %jit3A_19 = arith.constant 16 : i32
    %eq3A = arith.constant 0 : i32
    %eq3A_20 = arith.cmpi eq, %jit3A_19, %eq3A : i32
    %jit3A_21 = arith.constant 1 : i32
    %select_n3A_22 = arith.select %eq3A_20, %jit3A_21, %jit3A_19 : i32
    %rem3A_23 = arith.remsi %add3A, %select_n3A_22 : i32
    %ne3A_24 = arith.constant 0 : i32
    %ne3A_25 = arith.cmpi ne, %rem3A_23, %ne3A_24 : i32
    %lt3A = arith.constant 0 : i32
    %lt3A_26 = arith.cmpi slt, %rem3A_23, %lt3A : i32
    %lt3A_27 = arith.constant 0 : i32
    %lt3A_28 = arith.cmpi slt, %select_n3A_22, %lt3A_27 : i32
    %ne3A_29 = arith.xori %lt3A_26, %lt3A_28 : i1
    %and3A_30 = arith.andi %ne3A_29, %ne3A_25 : i1
    %add3A_31 = arith.addi %rem3A_23, %select_n3A_22 : i32
    %select_n3A_32 = arith.select %and3A_30, %add3A_31, %rem3A_23 : i32
    %mul3A_33 = arith.constant 128 : i32
    %mul3A_34 = arith.muli %select_n3A_32, %mul3A_33 : i32
    %dma_start3A = arith.constant 0 : i32
    %dma_start3A_35 = tpu.memref_slice %arg2[%select_n3A, %mul3A_34, %dma_start3A] : memref<2x2048x768xf32, #tpu.memory_space<hbm>> -> memref<1x128x768xf32, #tpu.memory_space<hbm>>
    %dma_start3A_36 = tpu.memref_squeeze %dma_start3A_35 : memref<1x128x768xf32, #tpu.memory_space<hbm>> -> memref<128x768xf32, #tpu.memory_space<hbm>>
    %dma_start3A_37 = arith.constant 0 : i32
    %dma_start3A_38 = tpu.memref_slice %arg2[%select_n3A, %mul3A_34, %dma_start3A_37] : memref<2x2048x768xf32, #tpu.memory_space<hbm>> -> memref<1x128x768xf32, #tpu.memory_space<hbm>>
    %dma_start3A_39 = tpu.memref_squeeze %dma_start3A_38 : memref<1x128x768xf32, #tpu.memory_space<hbm>> -> memref<128x768xf32, #tpu.memory_space<hbm>>
    tpu.enqueue_dma source(%dma_start3A_39 : memref<128x768xf32, #tpu.memory_space<hbm>>) target(%arg12 : memref<128x768xf32, #tpu.memory_space<vmem>>) target_semaphore(%arg13 : memref<!tpu.dma_semaphore, #tpu.memory_space<semaphore_mem>>)
    %dma_start3A_40 = tpu.memref_slice %arg3[%mul3A_2] : memref<4096xi32, #tpu.memory_space<hbm>> -> memref<128xi32, #tpu.memory_space<hbm>>
    %dma_start3A_41 = tpu.memref_slice %arg3[%mul3A_2] : memref<4096xi32, #tpu.memory_space<hbm>> -> memref<128xi32, #tpu.memory_space<hbm>>
    tpu.enqueue_dma source(%dma_start3A_41 : memref<128xi32, #tpu.memory_space<hbm>>) target(%arg8 : memref<128xi32, #tpu.memory_space<vmem>>) target_semaphore(%arg14 : memref<!tpu.dma_semaphore, #tpu.memory_space<semaphore_mem>>)
    %dma_start3A_42 = tpu.memref_slice %arg4[%mul3A_2] : memref<4096xi32, #tpu.memory_space<hbm>> -> memref<128xi32, #tpu.memory_space<hbm>>
    %dma_start3A_43 = tpu.memref_slice %arg4[%mul3A_2] : memref<4096xi32, #tpu.memory_space<hbm>> -> memref<128xi32, #tpu.memory_space<hbm>>
    tpu.enqueue_dma source(%dma_start3A_43 : memref<128xi32, #tpu.memory_space<hbm>>) target(%arg9 : memref<128xi32, #tpu.memory_space<vmem>>) target_semaphore(%arg14 : memref<!tpu.dma_semaphore, #tpu.memory_space<semaphore_mem>>)
    tpu.enqueue_dma source(%arg5 : memref<128xi32, #tpu.memory_space<hbm>>) target(%arg10 : memref<128xi32, #tpu.memory_space<vmem>>) target_semaphore(%arg14 : memref<!tpu.dma_semaphore, #tpu.memory_space<semaphore_mem>>)
    %dma_wait3A = tpu.memref_slice %arg3[%mul3A_2] : memref<4096xi32, #tpu.memory_space<hbm>> -> memref<128xi32, #tpu.memory_space<hbm>>
    %dma_wait3A_44 = tpu.memref_slice %arg3[%mul3A_2] : memref<4096xi32, #tpu.memory_space<hbm>> -> memref<128xi32, #tpu.memory_space<hbm>>
    tpu.wait_dma2 semaphore(%arg14 : memref<!tpu.dma_semaphore, #tpu.memory_space<semaphore_mem>>) src(%dma_wait3A_44 : memref<128xi32, #tpu.memory_space<hbm>>) dst(%arg8 : memref<128xi32, #tpu.memory_space<vmem>>)
    %dma_wait3A_45 = tpu.memref_slice %arg4[%mul3A_2] : memref<4096xi32, #tpu.memory_space<hbm>> -> memref<128xi32, #tpu.memory_space<hbm>>
    %dma_wait3A_46 = tpu.memref_slice %arg4[%mul3A_2] : memref<4096xi32, #tpu.memory_space<hbm>> -> memref<128xi32, #tpu.memory_space<hbm>>
    tpu.wait_dma2 semaphore(%arg14 : memref<!tpu.dma_semaphore, #tpu.memory_space<semaphore_mem>>) src(%dma_wait3A_46 : memref<128xi32, #tpu.memory_space<hbm>>) dst(%arg9 : memref<128xi32, #tpu.memory_space<vmem>>)
    tpu.wait_dma2 semaphore(%arg14 : memref<!tpu.dma_semaphore, #tpu.memory_space<semaphore_mem>>) src(%arg5 : memref<128xi32, #tpu.memory_space<hbm>>) dst(%arg10 : memref<128xi32, #tpu.memory_space<vmem>>)
    %get3A = arith.constant 0 : index
    %get3A_47 = tpu.vector_load %arg10[%get3A] {strides = array<i32>} : memref<128xi32, #tpu.memory_space<vmem>>, vector<16xi32>,
    %get3A_48 = vector.shape_cast %get3A_47 : vector<16xi32> to vector<16xi32>
    %get3A_49 = arith.constant 16 : index
    %get3A_50 = tpu.vector_load %arg10[%get3A_49] {strides = array<i32>} : memref<128xi32, #tpu.memory_space<vmem>>, vector<16xi32>,
    %get3A_51 = vector.shape_cast %get3A_50 : vector<16xi32> to vector<16xi32>
    %get3A_52 = arith.constant 32 : index
    %get3A_53 = tpu.vector_load %arg10[%get3A_52] {strides = array<i32>} : memref<128xi32, #tpu.memory_space<vmem>>, vector<16xi32>,
    %get3A_54 = vector.shape_cast %get3A_53 : vector<16xi32> to vector<16xi32>
    %get3A_55 = arith.constant 48 : index
    %get3A_56 = tpu.vector_load %arg10[%get3A_55] {strides = array<i32>} : memref<128xi32, #tpu.memory_space<vmem>>, vector<16xi32>,
    %get3A_57 = vector.shape_cast %get3A_56 : vector<16xi32> to vector<16xi32>
    %get3A_58 = arith.constant 64 : index
    %get3A_59 = tpu.vector_load %arg10[%get3A_58] {strides = array<i32>} : memref<128xi32, #tpu.memory_space<vmem>>, vector<16xi32>,
    %get3A_60 = vector.shape_cast %get3A_59 : vector<16xi32> to vector<16xi32>
    %get3A_61 = arith.constant 80 : index
    %get3A_62 = tpu.vector_load %arg10[%get3A_61] {strides = array<i32>} : memref<128xi32, #tpu.memory_space<vmem>>, vector<16xi32>,
    %get3A_63 = vector.shape_cast %get3A_62 : vector<16xi32> to vector<16xi32>
    %get3A_64 = arith.constant 96 : index
    %get3A_65 = tpu.vector_load %arg10[%get3A_64] {strides = array<i32>} : memref<128xi32, #tpu.memory_space<vmem>>, vector<16xi32>,
    %get3A_66 = vector.shape_cast %get3A_65 : vector<16xi32> to vector<16xi32>
    %get3A_67 = arith.constant 112 : index
    %get3A_68 = tpu.vector_load %arg10[%get3A_67] {strides = array<i32>} : memref<128xi32, #tpu.memory_space<vmem>>, vector<16xi32>,
    %get3A_69 = vector.shape_cast %get3A_68 : vector<16xi32> to vector<16xi32>
    %get3A_70 = arith.constant 0 : index
    %get3A_71 = tpu.vector_load %arg8[%get3A_70] {strides = array<i32>} : memref<128xi32, #tpu.memory_space<vmem>>, vector<16xi32>,
    %get3A_72 = vector.shape_cast %get3A_71 : vector<16xi32> to vector<16xi32>
    %get3A_73 = arith.constant 0 : index
    %get3A_74 = tpu.vector_load %arg9[%get3A_73] {strides = array<i32>} : memref<128xi32, #tpu.memory_space<vmem>>, vector<16xi32>,
    %get3A_75 = vector.shape_cast %get3A_74 : vector<16xi32> to vector<16xi32>
    %eq3A_76 = arith.constant 0 : i32
    %eq3A_77 = vector.broadcast %eq3A_76 : i32 to vector<16xi32>
    %eq3A_78 = arith.cmpi eq, %get3A_72, %eq3A_77 : vector<16xi32>
    %add3A_79 = arith.addi %get3A_75, %get3A_48 : vector<16xi32>
    %select_n3A_80 = arith.select %eq3A_78, %add3A_79, %get3A_75 : vector<16xi1>, vector<16xi32>
    %eq3A_81 = arith.constant 1 : i32
    %eq3A_82 = vector.broadcast %eq3A_81 : i32 to vector<16xi32>
    %eq3A_83 = arith.cmpi eq, %get3A_72, %eq3A_82 : vector<16xi32>
    %add3A_84 = arith.addi %select_n3A_80, %get3A_51 : vector<16xi32>
    %select_n3A_85 = arith.select %eq3A_83, %add3A_84, %select_n3A_80 : vector<16xi1>, vector<16xi32>
    %eq3A_86 = arith.constant 2 : i32
    %eq3A_87 = vector.broadcast %eq3A_86 : i32 to vector<16xi32>
    %eq3A_88 = arith.cmpi eq, %get3A_72, %eq3A_87 : vector<16xi32>
    %add3A_89 = arith.addi %select_n3A_85, %get3A_54 : vector<16xi32>
    %select_n3A_90 = arith.select %eq3A_88, %add3A_89, %select_n3A_85 : vector<16xi1>, vector<16xi32>
    %eq3A_91 = arith.constant 3 : i32
    %eq3A_92 = vector.broadcast %eq3A_91 : i32 to vector<16xi32>
    %eq3A_93 = arith.cmpi eq, %get3A_72, %eq3A_92 : vector<16xi32>
    %add3A_94 = arith.addi %select_n3A_90, %get3A_57 : vector<16xi32>
    %select_n3A_95 = arith.select %eq3A_93, %add3A_94, %select_n3A_90 : vector<16xi1>, vector<16xi32>
    %eq3A_96 = arith.constant 4 : i32
    %eq3A_97 = vector.broadcast %eq3A_96 : i32 to vector<16xi32>
    %eq3A_98 = arith.cmpi eq, %get3A_72, %eq3A_97 : vector<16xi32>
    %add3A_99 = arith.addi %select_n3A_95, %get3A_60 : vector<16xi32>
    %select_n3A_100 = arith.select %eq3A_98, %add3A_99, %select_n3A_95 : vector<16xi1>, vector<16xi32>
    %eq3A_101 = arith.constant 5 : i32
    %eq3A_102 = vector.broadcast %eq3A_101 : i32 to vector<16xi32>
    %eq3A_103 = arith.cmpi eq, %get3A_72, %eq3A_102 : vector<16xi32>
    %add3A_104 = arith.addi %select_n3A_100, %get3A_63 : vector<16xi32>
    %select_n3A_105 = arith.select %eq3A_103, %add3A_104, %select_n3A_100 : vector<16xi1>, vector<16xi32>
    %eq3A_106 = arith.constant 6 : i32
    %eq3A_107 = vector.broadcast %eq3A_106 : i32 to vector<16xi32>
    %eq3A_108 = arith.cmpi eq, %get3A_72, %eq3A_107 : vector<16xi32>
    %add3A_109 = arith.addi %select_n3A_105, %get3A_66 : vector<16xi32>
    %select_n3A_110 = arith.select %eq3A_108, %add3A_109, %select_n3A_105 : vector<16xi1>, vector<16xi32>
    %eq3A_111 = arith.constant 7 : i32
    %eq3A_112 = vector.broadcast %eq3A_111 : i32 to vector<16xi32>
    %eq3A_113 = arith.cmpi eq, %get3A_72, %eq3A_112 : vector<16xi32>
    %add3A_114 = arith.addi %select_n3A_110, %get3A_69 : vector<16xi32>
    %select_n3A_115 = arith.select %eq3A_113, %add3A_114, %select_n3A_110 : vector<16xi1>, vector<16xi32>
    %swap3A = arith.constant 0 : index
    %swap3A_116 = tpu.vector_load %arg11[%swap3A] {strides = array<i32>} : memref<128xi32, #tpu.memory_space<vmem>>, vector<16xi32>,
    %swap3A_117 = vector.shape_cast %swap3A_116 : vector<16xi32> to vector<16xi32>
    %swap3A_118 = vector.shape_cast %select_n3A_115 : vector<16xi32> to vector<16xi32>
    tpu.vector_store %arg11[%swap3A], %swap3A_118 {strides = array<i32>} : memref<128xi32, #tpu.memory_space<vmem>>, vector<16xi32>,
    %get3A_119 = arith.constant 16 : index
    %get3A_120 = tpu.vector_load %arg8[%get3A_119] {strides = array<i32>} : memref<128xi32, #tpu.memory_space<vmem>>, vector<16xi32>,
    %get3A_121 = vector.shape_cast %get3A_120 : vector<16xi32> to vector<16xi32>
    %get3A_122 = arith.constant 16 : index
    %get3A_123 = tpu.vector_load %arg9[%get3A_122] {strides = array<i32>} : memref<128xi32, #tpu.memory_space<vmem>>, vector<16xi32>,
    %get3A_124 = vector.shape_cast %get3A_123 : vector<16xi32> to vector<16xi32>
    %eq3A_125 = arith.constant 0 : i32
    %eq3A_126 = vector.broadcast %eq3A_125 : i32 to vector<16xi32>
    %eq3A_127 = arith.cmpi eq, %get3A_121, %eq3A_126 : vector<16xi32>
    %add3A_128 = arith.addi %get3A_124, %get3A_48 : vector<16xi32>
    %select_n3A_129 = arith.select %eq3A_127, %add3A_128, %get3A_124 : vector<16xi1>, vector<16xi32>
    %eq3A_130 = arith.constant 1 : i32
    %eq3A_131 = vector.broadcast %eq3A_130 : i32 to vector<16xi32>
    %eq3A_132 = arith.cmpi eq, %get3A_121, %eq3A_131 : vector<16xi32>
    %add3A_133 = arith.addi %select_n3A_129, %get3A_51 : vector<16xi32>
    %select_n3A_134 = arith.select %eq3A_132, %add3A_133, %select_n3A_129 : vector<16xi1>, vector<16xi32>
    %eq3A_135 = arith.constant 2 : i32
    %eq3A_136 = vector.broadcast %eq3A_135 : i32 to vector<16xi32>
    %eq3A_137 = arith.cmpi eq, %get3A_121, %eq3A_136 : vector<16xi32>
    %add3A_138 = arith.addi %select_n3A_134, %get3A_54 : vector<16xi32>
    %select_n3A_139 = arith.select %eq3A_137, %add3A_138, %select_n3A_134 : vector<16xi1>, vector<16xi32>
    %eq3A_140 = arith.constant 3 : i32
    %eq3A_141 = vector.broadcast %eq3A_140 : i32 to vector<16xi32>
    %eq3A_142 = arith.cmpi eq, %get3A_121, %eq3A_141 : vector<16xi32>
    %add3A_143 = arith.addi %select_n3A_139, %get3A_57 : vector<16xi32>
    %select_n3A_144 = arith.select %eq3A_142, %add3A_143, %select_n3A_139 : vector<16xi1>, vector<16xi32>
    %eq3A_145 = arith.constant 4 : i32
    %eq3A_146 = vector.broadcast %eq3A_145 : i32 to vector<16xi32>
    %eq3A_147 = arith.cmpi eq, %get3A_121, %eq3A_146 : vector<16xi32>
    %add3A_148 = arith.addi %select_n3A_144, %get3A_60 : vector<16xi32>
    %select_n3A_149 = arith.select %eq3A_147, %add3A_148, %select_n3A_144 : vector<16xi1>, vector<16xi32>
    %eq3A_150 = arith.constant 5 : i32
    %eq3A_151 = vector.broadcast %eq3A_150 : i32 to vector<16xi32>
    %eq3A_152 = arith.cmpi eq, %get3A_121, %eq3A_151 : vector<16xi32>
    %add3A_153 = arith.addi %select_n3A_149, %get3A_63 : vector<16xi32>
    %select_n3A_154 = arith.select %eq3A_152, %add3A_153, %select_n3A_149 : vector<16xi1>, vector<16xi32>
    %eq3A_155 = arith.constant 6 : i32
    %eq3A_156 = vector.broadcast %eq3A_155 : i32 to vector<16xi32>
    %eq3A_157 = arith.cmpi eq, %get3A_121, %eq3A_156 : vector<16xi32>
    %add3A_158 = arith.addi %select_n3A_154, %get3A_66 : vector<16xi32>
    %select_n3A_159 = arith.select %eq3A_157, %add3A_158, %select_n3A_154 : vector<16xi1>, vector<16xi32>
    %eq3A_160 = arith.constant 7 : i32
    %eq3A_161 = vector.broadcast %eq3A_160 : i32 to vector<16xi32>
    %eq3A_162 = arith.cmpi eq, %get3A_121, %eq3A_161 : vector<16xi32>
    %add3A_163 = arith.addi %select_n3A_159, %get3A_69 : vector<16xi32>
    %select_n3A_164 = arith.select %eq3A_162, %add3A_163, %select_n3A_159 : vector<16xi1>, vector<16xi32>
    %swap3A_165 = arith.constant 16 : index
    %swap3A_166 = tpu.vector_load %arg11[%swap3A_165] {strides = array<i32>} : memref<128xi32, #tpu.memory_space<vmem>>, vector<16xi32>,
    %swap3A_167 = vector.shape_cast %swap3A_166 : vector<16xi32> to vector<16xi32>
    %swap3A_168 = vector.shape_cast %select_n3A_164 : vector<16xi32> to vector<16xi32>
    tpu.vector_store %arg11[%swap3A_165], %swap3A_168 {strides = array<i32>} : memref<128xi32, #tpu.memory_space<vmem>>, vector<16xi32>,
    %get3A_169 = arith.constant 32 : index
    %get3A_170 = tpu.vector_load %arg8[%get3A_169] {strides = array<i32>} : memref<128xi32, #tpu.memory_space<vmem>>, vector<16xi32>,
    %get3A_171 = vector.shape_cast %get3A_170 : vector<16xi32> to vector<16xi32>
    %get3A_172 = arith.constant 32 : index
    %get3A_173 = tpu.vector_load %arg9[%get3A_172] {strides = array<i32>} : memref<128xi32, #tpu.memory_space<vmem>>, vector<16xi32>,
    %get3A_174 = vector.shape_cast %get3A_173 : vector<16xi32> to vector<16xi32>
    %eq3A_175 = arith.constant 0 : i32
    %eq3A_176 = vector.broadcast %eq3A_175 : i32 to vector<16xi32>
    %eq3A_177 = arith.cmpi eq, %get3A_171, %eq3A_176 : vector<16xi32>
    %add3A_178 = arith.addi %get3A_174, %get3A_48 : vector<16xi32>
    %select_n3A_179 = arith.select %eq3A_177, %add3A_178, %get3A_174 : vector<16xi1>, vector<16xi32>
    %eq3A_180 = arith.constant 1 : i32
    %eq3A_181 = vector.broadcast %eq3A_180 : i32 to vector<16xi32>
    %eq3A_182 = arith.cmpi eq, %get3A_171, %eq3A_181 : vector<16xi32>
    %add3A_183 = arith.addi %select_n3A_179, %get3A_51 : vector<16xi32>
    %select_n3A_184 = arith.select %eq3A_182, %add3A_183, %select_n3A_179 : vector<16xi1>, vector<16xi32>
    %eq3A_185 = arith.constant 2 : i32
    %eq3A_186 = vector.broadcast %eq3A_185 : i32 to vector<16xi32>
    %eq3A_187 = arith.cmpi eq, %get3A_171, %eq3A_186 : vector<16xi32>
    %add3A_188 = arith.addi %select_n3A_184, %get3A_54 : vector<16xi32>
    %select_n3A_189 = arith.select %eq3A_187, %add3A_188, %select_n3A_184 : vector<16xi1>, vector<16xi32>
    %eq3A_190 = arith.constant 3 : i32
    %eq3A_191 = vector.broadcast %eq3A_190 : i32 to vector<16xi32>
    %eq3A_192 = arith.cmpi eq, %get3A_171, %eq3A_191 : vector<16xi32>
    %add3A_193 = arith.addi %select_n3A_189, %get3A_57 : vector<16xi32>
    %select_n3A_194 = arith.select %eq3A_192, %add3A_193, %select_n3A_189 : vector<16xi1>, vector<16xi32>
    %eq3A_195 = arith.constant 4 : i32
    %eq3A_196 = vector.broadcast %eq3A_195 : i32 to vector<16xi32>
    %eq3A_197 = arith.cmpi eq, %get3A_171, %eq3A_196 : vector<16xi32>
    %add3A_198 = arith.addi %select_n3A_194, %get3A_60 : vector<16xi32>
    %select_n3A_199 = arith.select %eq3A_197, %add3A_198, %select_n3A_194 : vector<16xi1>, vector<16xi32>
    %eq3A_200 = arith.constant 5 : i32
    %eq3A_201 = vector.broadcast %eq3A_200 : i32 to vector<16xi32>
    %eq3A_202 = arith.cmpi eq, %get3A_171, %eq3A_201 : vector<16xi32>
    %add3A_203 = arith.addi %select_n3A_199, %get3A_63 : vector<16xi32>
    %select_n3A_204 = arith.select %eq3A_202, %add3A_203, %select_n3A_199 : vector<16xi1>, vector<16xi32>
    %eq3A_205 = arith.constant 6 : i32
    %eq3A_206 = vector.broadcast %eq3A_205 : i32 to vector<16xi32>
    %eq3A_207 = arith.cmpi eq, %get3A_171, %eq3A_206 : vector<16xi32>
    %add3A_208 = arith.addi %select_n3A_204, %get3A_66 : vector<16xi32>
    %select_n3A_209 = arith.select %eq3A_207, %add3A_208, %select_n3A_204 : vector<16xi1>, vector<16xi32>
    %eq3A_210 = arith.constant 7 : i32
    %eq3A_211 = vector.broadcast %eq3A_210 : i32 to vector<16xi32>
    %eq3A_212 = arith.cmpi eq, %get3A_171, %eq3A_211 : vector<16xi32>
    %add3A_213 = arith.addi %select_n3A_209, %get3A_69 : vector<16xi32>
    %select_n3A_214 = arith.select %eq3A_212, %add3A_213, %select_n3A_209 : vector<16xi1>, vector<16xi32>
    %swap3A_215 = arith.constant 32 : index
    %swap3A_216 = tpu.vector_load %arg11[%swap3A_215] {strides = array<i32>} : memref<128xi32, #tpu.memory_space<vmem>>, vector<16xi32>,
    %swap3A_217 = vector.shape_cast %swap3A_216 : vector<16xi32> to vector<16xi32>
    %swap3A_218 = vector.shape_cast %select_n3A_214 : vector<16xi32> to vector<16xi32>
    tpu.vector_store %arg11[%swap3A_215], %swap3A_218 {strides = array<i32>} : memref<128xi32, #tpu.memory_space<vmem>>, vector<16xi32>,
    %get3A_219 = arith.constant 48 : index
    %get3A_220 = tpu.vector_load %arg8[%get3A_219] {strides = array<i32>} : memref<128xi32, #tpu.memory_space<vmem>>, vector<16xi32>,
    %get3A_221 = vector.shape_cast %get3A_220 : vector<16xi32> to vector<16xi32>
    %get3A_222 = arith.constant 48 : index
    %get3A_223 = tpu.vector_load %arg9[%get3A_222] {strides = array<i32>} : memref<128xi32, #tpu.memory_space<vmem>>, vector<16xi32>,
    %get3A_224 = vector.shape_cast %get3A_223 : vector<16xi32> to vector<16xi32>
    %eq3A_225 = arith.constant 0 : i32
    %eq3A_226 = vector.broadcast %eq3A_225 : i32 to vector<16xi32>
    %eq3A_227 = arith.cmpi eq, %get3A_221, %eq3A_226 : vector<16xi32>
    %add3A_228 = arith.addi %get3A_224, %get3A_48 : vector<16xi32>
    %select_n3A_229 = arith.select %eq3A_227, %add3A_228, %get3A_224 : vector<16xi1>, vector<16xi32>
    %eq3A_230 = arith.constant 1 : i32
    %eq3A_231 = vector.broadcast %eq3A_230 : i32 to vector<16xi32>
    %eq3A_232 = arith.cmpi eq, %get3A_221, %eq3A_231 : vector<16xi32>
    %add3A_233 = arith.addi %select_n3A_229, %get3A_51 : vector<16xi32>
    %select_n3A_234 = arith.select %eq3A_232, %add3A_233, %select_n3A_229 : vector<16xi1>, vector<16xi32>
    %eq3A_235 = arith.constant 2 : i32
    %eq3A_236 = vector.broadcast %eq3A_235 : i32 to vector<16xi32>
    %eq3A_237 = arith.cmpi eq, %get3A_221, %eq3A_236 : vector<16xi32>
    %add3A_238 = arith.addi %select_n3A_234, %get3A_54 : vector<16xi32>
    %select_n3A_239 = arith.select %eq3A_237, %add3A_238, %select_n3A_234 : vector<16xi1>, vector<16xi32>
    %eq3A_240 = arith.constant 3 : i32
    %eq3A_241 = vector.broadcast %eq3A_240 : i32 to vector<16xi32>
    %eq3A_242 = arith.cmpi eq, %get3A_221, %eq3A_241 : vector<16xi32>
    %add3A_243 = arith.addi %select_n3A_239, %get3A_57 : vector<16xi32>
    %select_n3A_244 = arith.select %eq3A_242, %add3A_243, %select_n3A_239 : vector<16xi1>, vector<16xi32>
    %eq3A_245 = arith.constant 4 : i32
    %eq3A_246 = vector.broadcast %eq3A_245 : i32 to vector<16xi32>
    %eq3A_247 = arith.cmpi eq, %get3A_221, %eq3A_246 : vector<16xi32>
    %add3A_248 = arith.addi %select_n3A_244, %get3A_60 : vector<16xi32>
    %select_n3A_249 = arith.select %eq3A_247, %add3A_248, %select_n3A_244 : vector<16xi1>, vector<16xi32>
    %eq3A_250 = arith.constant 5 : i32
    %eq3A_251 = vector.broadcast %eq3A_250 : i32 to vector<16xi32>
    %eq3A_252 = arith.cmpi eq, %get3A_221, %eq3A_251 : vector<16xi32>
    %add3A_253 = arith.addi %select_n3A_249, %get3A_63 : vector<16xi32>
    %select_n3A_254 = arith.select %eq3A_252, %add3A_253, %select_n3A_249 : vector<16xi1>, vector<16xi32>
    %eq3A_255 = arith.constant 6 : i32
    %eq3A_256 = vector.broadcast %eq3A_255 : i32 to vector<16xi32>
    %eq3A_257 = arith.cmpi eq, %get3A_221, %eq3A_256 : vector<16xi32>
    %add3A_258 = arith.addi %select_n3A_254, %get3A_66 : vector<16xi32>
    %select_n3A_259 = arith.select %eq3A_257, %add3A_258, %select_n3A_254 : vector<16xi1>, vector<16xi32>
    %eq3A_260 = arith.constant 7 : i32
    %eq3A_261 = vector.broadcast %eq3A_260 : i32 to vector<16xi32>
    %eq3A_262 = arith.cmpi eq, %get3A_221, %eq3A_261 : vector<16xi32>
    %add3A_263 = arith.addi %select_n3A_259, %get3A_69 : vector<16xi32>
    %select_n3A_264 = arith.select %eq3A_262, %add3A_263, %select_n3A_259 : vector<16xi1>, vector<16xi32>
    %swap3A_265 = arith.constant 48 : index
    %swap3A_266 = tpu.vector_load %arg11[%swap3A_265] {strides = array<i32>} : memref<128xi32, #tpu.memory_space<vmem>>, vector<16xi32>,
    %swap3A_267 = vector.shape_cast %swap3A_266 : vector<16xi32> to vector<16xi32>
    %swap3A_268 = vector.shape_cast %select_n3A_264 : vector<16xi32> to vector<16xi32>
    tpu.vector_store %arg11[%swap3A_265], %swap3A_268 {strides = array<i32>} : memref<128xi32, #tpu.memory_space<vmem>>, vector<16xi32>,
    %get3A_269 = arith.constant 64 : index
    %get3A_270 = tpu.vector_load %arg8[%get3A_269] {strides = array<i32>} : memref<128xi32, #tpu.memory_space<vmem>>, vector<16xi32>,
    %get3A_271 = vector.shape_cast %get3A_270 : vector<16xi32> to vector<16xi32>
    %get3A_272 = arith.constant 64 : index
    %get3A_273 = tpu.vector_load %arg9[%get3A_272] {strides = array<i32>} : memref<128xi32, #tpu.memory_space<vmem>>, vector<16xi32>,
    %get3A_274 = vector.shape_cast %get3A_273 : vector<16xi32> to vector<16xi32>
    %eq3A_275 = arith.constant 0 : i32
    %eq3A_276 = vector.broadcast %eq3A_275 : i32 to vector<16xi32>
    %eq3A_277 = arith.cmpi eq, %get3A_271, %eq3A_276 : vector<16xi32>
    %add3A_278 = arith.addi %get3A_274, %get3A_48 : vector<16xi32>
    %select_n3A_279 = arith.select %eq3A_277, %add3A_278, %get3A_274 : vector<16xi1>, vector<16xi32>
    %eq3A_280 = arith.constant 1 : i32
    %eq3A_281 = vector.broadcast %eq3A_280 : i32 to vector<16xi32>
    %eq3A_282 = arith.cmpi eq, %get3A_271, %eq3A_281 : vector<16xi32>
    %add3A_283 = arith.addi %select_n3A_279, %get3A_51 : vector<16xi32>
    %select_n3A_284 = arith.select %eq3A_282, %add3A_283, %select_n3A_279 : vector<16xi1>, vector<16xi32>
    %eq3A_285 = arith.constant 2 : i32
    %eq3A_286 = vector.broadcast %eq3A_285 : i32 to vector<16xi32>
    %eq3A_287 = arith.cmpi eq, %get3A_271, %eq3A_286 : vector<16xi32>
    %add3A_288 = arith.addi %select_n3A_284, %get3A_54 : vector<16xi32>
    %select_n3A_289 = arith.select %eq3A_287, %add3A_288, %select_n3A_284 : vector<16xi1>, vector<16xi32>
    %eq3A_290 = arith.constant 3 : i32
    %eq3A_291 = vector.broadcast %eq3A_290 : i32 to vector<16xi32>
    %eq3A_292 = arith.cmpi eq, %get3A_271, %eq3A_291 : vector<16xi32>
    %add3A_293 = arith.addi %select_n3A_289, %get3A_57 : vector<16xi32>
    %select_n3A_294 = arith.select %eq3A_292, %add3A_293, %select_n3A_289 : vector<16xi1>, vector<16xi32>
    %eq3A_295 = arith.constant 4 : i32
    %eq3A_296 = vector.broadcast %eq3A_295 : i32 to vector<16xi32>
    %eq3A_297 = arith.cmpi eq, %get3A_271, %eq3A_296 : vector<16xi32>
    %add3A_298 = arith.addi %select_n3A_294, %get3A_60 : vector<16xi32>
    %select_n3A_299 = arith.select %eq3A_297, %add3A_298, %select_n3A_294 : vector<16xi1>, vector<16xi32>
    %eq3A_300 = arith.constant 5 : i32
    %eq3A_301 = vector.broadcast %eq3A_300 : i32 to vector<16xi32>
    %eq3A_302 = arith.cmpi eq, %get3A_271, %eq3A_301 : vector<16xi32>
    %add3A_303 = arith.addi %select_n3A_299, %get3A_63 : vector<16xi32>
    %select_n3A_304 = arith.select %eq3A_302, %add3A_303, %select_n3A_299 : vector<16xi1>, vector<16xi32>
    %eq3A_305 = arith.constant 6 : i32
    %eq3A_306 = vector.broadcast %eq3A_305 : i32 to vector<16xi32>
    %eq3A_307 = arith.cmpi eq, %get3A_271, %eq3A_306 : vector<16xi32>
    %add3A_308 = arith.addi %select_n3A_304, %get3A_66 : vector<16xi32>
    %select_n3A_309 = arith.select %eq3A_307, %add3A_308, %select_n3A_304 : vector<16xi1>, vector<16xi32>
    %eq3A_310 = arith.constant 7 : i32
    %eq3A_311 = vector.broadcast %eq3A_310 : i32 to vector<16xi32>
    %eq3A_312 = arith.cmpi eq, %get3A_271, %eq3A_311 : vector<16xi32>
    %add3A_313 = arith.addi %select_n3A_309, %get3A_69 : vector<16xi32>
    %select_n3A_314 = arith.select %eq3A_312, %add3A_313, %select_n3A_309 : vector<16xi1>, vector<16xi32>
    %swap3A_315 = arith.constant 64 : index
    %swap3A_316 = tpu.vector_load %arg11[%swap3A_315] {strides = array<i32>} : memref<128xi32, #tpu.memory_space<vmem>>, vector<16xi32>,
    %swap3A_317 = vector.shape_cast %swap3A_316 : vector<16xi32> to vector<16xi32>
    %swap3A_318 = vector.shape_cast %select_n3A_314 : vector<16xi32> to vector<16xi32>
    tpu.vector_store %arg11[%swap3A_315], %swap3A_318 {strides = array<i32>} : memref<128xi32, #tpu.memory_space<vmem>>, vector<16xi32>,
    %get3A_319 = arith.constant 80 : index
    %get3A_320 = tpu.vector_load %arg8[%get3A_319] {strides = array<i32>} : memref<128xi32, #tpu.memory_space<vmem>>, vector<16xi32>,
    %get3A_321 = vector.shape_cast %get3A_320 : vector<16xi32> to vector<16xi32>
    %get3A_322 = arith.constant 80 : index
    %get3A_323 = tpu.vector_load %arg9[%get3A_322] {strides = array<i32>} : memref<128xi32, #tpu.memory_space<vmem>>, vector<16xi32>,
    %get3A_324 = vector.shape_cast %get3A_323 : vector<16xi32> to vector<16xi32>
    %eq3A_325 = arith.constant 0 : i32
    %eq3A_326 = vector.broadcast %eq3A_325 : i32 to vector<16xi32>
    %eq3A_327 = arith.cmpi eq, %get3A_321, %eq3A_326 : vector<16xi32>
    %add3A_328 = arith.addi %get3A_324, %get3A_48 : vector<16xi32>
    %select_n3A_329 = arith.select %eq3A_327, %add3A_328, %get3A_324 : vector<16xi1>, vector<16xi32>
    %eq3A_330 = arith.constant 1 : i32
    %eq3A_331 = vector.broadcast %eq3A_330 : i32 to vector<16xi32>
    %eq3A_332 = arith.cmpi eq, %get3A_321, %eq3A_331 : vector<16xi32>
    %add3A_333 = arith.addi %select_n3A_329, %get3A_51 : vector<16xi32>
    %select_n3A_334 = arith.select %eq3A_332, %add3A_333, %select_n3A_329 : vector<16xi1>, vector<16xi32>
    %eq3A_335 = arith.constant 2 : i32
    %eq3A_336 = vector.broadcast %eq3A_335 : i32 to vector<16xi32>
    %eq3A_337 = arith.cmpi eq, %get3A_321, %eq3A_336 : vector<16xi32>
    %add3A_338 = arith.addi %select_n3A_334, %get3A_54 : vector<16xi32>
    %select_n3A_339 = arith.select %eq3A_337, %add3A_338, %select_n3A_334 : vector<16xi1>, vector<16xi32>
    %eq3A_340 = arith.constant 3 : i32
    %eq3A_341 = vector.broadcast %eq3A_340 : i32 to vector<16xi32>
    %eq3A_342 = arith.cmpi eq, %get3A_321, %eq3A_341 : vector<16xi32>
    %add3A_343 = arith.addi %select_n3A_339, %get3A_57 : vector<16xi32>
    %select_n3A_344 = arith.select %eq3A_342, %add3A_343, %select_n3A_339 : vector<16xi1>, vector<16xi32>
    %eq3A_345 = arith.constant 4 : i32
    %eq3A_346 = vector.broadcast %eq3A_345 : i32 to vector<16xi32>
    %eq3A_347 = arith.cmpi eq, %get3A_321, %eq3A_346 : vector<16xi32>
    %add3A_348 = arith.addi %select_n3A_344, %get3A_60 : vector<16xi32>
    %select_n3A_349 = arith.select %eq3A_347, %add3A_348, %select_n3A_344 : vector<16xi1>, vector<16xi32>
    %eq3A_350 = arith.constant 5 : i32
    %eq3A_351 = vector.broadcast %eq3A_350 : i32 to vector<16xi32>
    %eq3A_352 = arith.cmpi eq, %get3A_321, %eq3A_351 : vector<16xi32>
    %add3A_353 = arith.addi %select_n3A_349, %get3A_63 : vector<16xi32>
    %select_n3A_354 = arith.select %eq3A_352, %add3A_353, %select_n3A_349 : vector<16xi1>, vector<16xi32>
    %eq3A_355 = arith.constant 6 : i32
    %eq3A_356 = vector.broadcast %eq3A_355 : i32 to vector<16xi32>
    %eq3A_357 = arith.cmpi eq, %get3A_321, %eq3A_356 : vector<16xi32>
    %add3A_358 = arith.addi %select_n3A_354, %get3A_66 : vector<16xi32>
    %select_n3A_359 = arith.select %eq3A_357, %add3A_358, %select_n3A_354 : vector<16xi1>, vector<16xi32>
    %eq3A_360 = arith.constant 7 : i32
    %eq3A_361 = vector.broadcast %eq3A_360 : i32 to vector<16xi32>
    %eq3A_362 = arith.cmpi eq, %get3A_321, %eq3A_361 : vector<16xi32>
    %add3A_363 = arith.addi %select_n3A_359, %get3A_69 : vector<16xi32>
    %select_n3A_364 = arith.select %eq3A_362, %add3A_363, %select_n3A_359 : vector<16xi1>, vector<16xi32>
    %swap3A_365 = arith.constant 80 : index
    %swap3A_366 = tpu.vector_load %arg11[%swap3A_365] {strides = array<i32>} : memref<128xi32, #tpu.memory_space<vmem>>, vector<16xi32>,
    %swap3A_367 = vector.shape_cast %swap3A_366 : vector<16xi32> to vector<16xi32>
    %swap3A_368 = vector.shape_cast %select_n3A_364 : vector<16xi32> to vector<16xi32>
    tpu.vector_store %arg11[%swap3A_365], %swap3A_368 {strides = array<i32>} : memref<128xi32, #tpu.memory_space<vmem>>, vector<16xi32>,
    %get3A_369 = arith.constant 96 : index
    %get3A_370 = tpu.vector_load %arg8[%get3A_369] {strides = array<i32>} : memref<128xi32, #tpu.memory_space<vmem>>, vector<16xi32>,
    %get3A_371 = vector.shape_cast %get3A_370 : vector<16xi32> to vector<16xi32>
    %get3A_372 = arith.constant 96 : index
    %get3A_373 = tpu.vector_load %arg9[%get3A_372] {strides = array<i32>} : memref<128xi32, #tpu.memory_space<vmem>>, vector<16xi32>,
    %get3A_374 = vector.shape_cast %get3A_373 : vector<16xi32> to vector<16xi32>
    %eq3A_375 = arith.constant 0 : i32
    %eq3A_376 = vector.broadcast %eq3A_375 : i32 to vector<16xi32>
    %eq3A_377 = arith.cmpi eq, %get3A_371, %eq3A_376 : vector<16xi32>
    %add3A_378 = arith.addi %get3A_374, %get3A_48 : vector<16xi32>
    %select_n3A_379 = arith.select %eq3A_377, %add3A_378, %get3A_374 : vector<16xi1>, vector<16xi32>
    %eq3A_380 = arith.constant 1 : i32
    %eq3A_381 = vector.broadcast %eq3A_380 : i32 to vector<16xi32>
    %eq3A_382 = arith.cmpi eq, %get3A_371, %eq3A_381 : vector<16xi32>
    %add3A_383 = arith.addi %select_n3A_379, %get3A_51 : vector<16xi32>
    %select_n3A_384 = arith.select %eq3A_382, %add3A_383, %select_n3A_379 : vector<16xi1>, vector<16xi32>
    %eq3A_385 = arith.constant 2 : i32
    %eq3A_386 = vector.broadcast %eq3A_385 : i32 to vector<16xi32>
    %eq3A_387 = arith.cmpi eq, %get3A_371, %eq3A_386 : vector<16xi32>
    %add3A_388 = arith.addi %select_n3A_384, %get3A_54 : vector<16xi32>
    %select_n3A_389 = arith.select %eq3A_387, %add3A_388, %select_n3A_384 : vector<16xi1>, vector<16xi32>
    %eq3A_390 = arith.constant 3 : i32
    %eq3A_391 = vector.broadcast %eq3A_390 : i32 to vector<16xi32>
    %eq3A_392 = arith.cmpi eq, %get3A_371, %eq3A_391 : vector<16xi32>
    %add3A_393 = arith.addi %select_n3A_389, %get3A_57 : vector<16xi32>
    %select_n3A_394 = arith.select %eq3A_392, %add3A_393, %select_n3A_389 : vector<16xi1>, vector<16xi32>
    %eq3A_395 = arith.constant 4 : i32
    %eq3A_396 = vector.broadcast %eq3A_395 : i32 to vector<16xi32>
    %eq3A_397 = arith.cmpi eq, %get3A_371, %eq3A_396 : vector<16xi32>
    %add3A_398 = arith.addi %select_n3A_394, %get3A_60 : vector<16xi32>
    %select_n3A_399 = arith.select %eq3A_397, %add3A_398, %select_n3A_394 : vector<16xi1>, vector<16xi32>
    %eq3A_400 = arith.constant 5 : i32
    %eq3A_401 = vector.broadcast %eq3A_400 : i32 to vector<16xi32>
    %eq3A_402 = arith.cmpi eq, %get3A_371, %eq3A_401 : vector<16xi32>
    %add3A_403 = arith.addi %select_n3A_399, %get3A_63 : vector<16xi32>
    %select_n3A_404 = arith.select %eq3A_402, %add3A_403, %select_n3A_399 : vector<16xi1>, vector<16xi32>
    %eq3A_405 = arith.constant 6 : i32
    %eq3A_406 = vector.broadcast %eq3A_405 : i32 to vector<16xi32>
    %eq3A_407 = arith.cmpi eq, %get3A_371, %eq3A_406 : vector<16xi32>
    %add3A_408 = arith.addi %select_n3A_404, %get3A_66 : vector<16xi32>
    %select_n3A_409 = arith.select %eq3A_407, %add3A_408, %select_n3A_404 : vector<16xi1>, vector<16xi32>
    %eq3A_410 = arith.constant 7 : i32
    %eq3A_411 = vector.broadcast %eq3A_410 : i32 to vector<16xi32>
    %eq3A_412 = arith.cmpi eq, %get3A_371, %eq3A_411 : vector<16xi32>
    %add3A_413 = arith.addi %select_n3A_409, %get3A_69 : vector<16xi32>
    %select_n3A_414 = arith.select %eq3A_412, %add3A_413, %select_n3A_409 : vector<16xi1>, vector<16xi32>
    %swap3A_415 = arith.constant 96 : index
    %swap3A_416 = tpu.vector_load %arg11[%swap3A_415] {strides = array<i32>} : memref<128xi32, #tpu.memory_space<vmem>>, vector<16xi32>,
    %swap3A_417 = vector.shape_cast %swap3A_416 : vector<16xi32> to vector<16xi32>
    %swap3A_418 = vector.shape_cast %select_n3A_414 : vector<16xi32> to vector<16xi32>
    tpu.vector_store %arg11[%swap3A_415], %swap3A_418 {strides = array<i32>} : memref<128xi32, #tpu.memory_space<vmem>>, vector<16xi32>,
    %get3A_419 = arith.constant 112 : index
    %get3A_420 = tpu.vector_load %arg8[%get3A_419] {strides = array<i32>} : memref<128xi32, #tpu.memory_space<vmem>>, vector<16xi32>,
    %get3A_421 = vector.shape_cast %get3A_420 : vector<16xi32> to vector<16xi32>
    %get3A_422 = arith.constant 112 : index
    %get3A_423 = tpu.vector_load %arg9[%get3A_422] {strides = array<i32>} : memref<128xi32, #tpu.memory_space<vmem>>, vector<16xi32>,
    %get3A_424 = vector.shape_cast %get3A_423 : vector<16xi32> to vector<16xi32>
    %eq3A_425 = arith.constant 0 : i32
    %eq3A_426 = vector.broadcast %eq3A_425 : i32 to vector<16xi32>
    %eq3A_427 = arith.cmpi eq, %get3A_421, %eq3A_426 : vector<16xi32>
    %add3A_428 = arith.addi %get3A_424, %get3A_48 : vector<16xi32>
    %select_n3A_429 = arith.select %eq3A_427, %add3A_428, %get3A_424 : vector<16xi1>, vector<16xi32>
    %eq3A_430 = arith.constant 1 : i32
    %eq3A_431 = vector.broadcast %eq3A_430 : i32 to vector<16xi32>
    %eq3A_432 = arith.cmpi eq, %get3A_421, %eq3A_431 : vector<16xi32>
    %add3A_433 = arith.addi %select_n3A_429, %get3A_51 : vector<16xi32>
    %select_n3A_434 = arith.select %eq3A_432, %add3A_433, %select_n3A_429 : vector<16xi1>, vector<16xi32>
    %eq3A_435 = arith.constant 2 : i32
    %eq3A_436 = vector.broadcast %eq3A_435 : i32 to vector<16xi32>
    %eq3A_437 = arith.cmpi eq, %get3A_421, %eq3A_436 : vector<16xi32>
    %add3A_438 = arith.addi %select_n3A_434, %get3A_54 : vector<16xi32>
    %select_n3A_439 = arith.select %eq3A_437, %add3A_438, %select_n3A_434 : vector<16xi1>, vector<16xi32>
    %eq3A_440 = arith.constant 3 : i32
    %eq3A_441 = vector.broadcast %eq3A_440 : i32 to vector<16xi32>
    %eq3A_442 = arith.cmpi eq, %get3A_421, %eq3A_441 : vector<16xi32>
    %add3A_443 = arith.addi %select_n3A_439, %get3A_57 : vector<16xi32>
    %select_n3A_444 = arith.select %eq3A_442, %add3A_443, %select_n3A_439 : vector<16xi1>, vector<16xi32>
    %eq3A_445 = arith.constant 4 : i32
    %eq3A_446 = vector.broadcast %eq3A_445 : i32 to vector<16xi32>
    %eq3A_447 = arith.cmpi eq, %get3A_421, %eq3A_446 : vector<16xi32>
    %add3A_448 = arith.addi %select_n3A_444, %get3A_60 : vector<16xi32>
    %select_n3A_449 = arith.select %eq3A_447, %add3A_448, %select_n3A_444 : vector<16xi1>, vector<16xi32>
    %eq3A_450 = arith.constant 5 : i32
    %eq3A_451 = vector.broadcast %eq3A_450 : i32 to vector<16xi32>
    %eq3A_452 = arith.cmpi eq, %get3A_421, %eq3A_451 : vector<16xi32>
    %add3A_453 = arith.addi %select_n3A_449, %get3A_63 : vector<16xi32>
    %select_n3A_454 = arith.select %eq3A_452, %add3A_453, %select_n3A_449 : vector<16xi1>, vector<16xi32>
    %eq3A_455 = arith.constant 6 : i32
    %eq3A_456 = vector.broadcast %eq3A_455 : i32 to vector<16xi32>
    %eq3A_457 = arith.cmpi eq, %get3A_421, %eq3A_456 : vector<16xi32>
    %add3A_458 = arith.addi %select_n3A_454, %get3A_66 : vector<16xi32>
    %select_n3A_459 = arith.select %eq3A_457, %add3A_458, %select_n3A_454 : vector<16xi1>, vector<16xi32>
    %eq3A_460 = arith.constant 7 : i32
    %eq3A_461 = vector.broadcast %eq3A_460 : i32 to vector<16xi32>
    %eq3A_462 = arith.cmpi eq, %get3A_421, %eq3A_461 : vector<16xi32>
    %add3A_463 = arith.addi %select_n3A_459, %get3A_69 : vector<16xi32>
    %select_n3A_464 = arith.select %eq3A_462, %add3A_463, %select_n3A_459 : vector<16xi1>, vector<16xi32>
    %swap3A_465 = arith.constant 112 : index
    %swap3A_466 = tpu.vector_load %arg11[%swap3A_465] {strides = array<i32>} : memref<128xi32, #tpu.memory_space<vmem>>, vector<16xi32>,
    %swap3A_467 = vector.shape_cast %swap3A_466 : vector<16xi32> to vector<16xi32>
    %swap3A_468 = vector.shape_cast %select_n3A_464 : vector<16xi32> to vector<16xi32>
    tpu.vector_store %arg11[%swap3A_465], %swap3A_468 {strides = array<i32>} : memref<128xi32, #tpu.memory_space<vmem>>, vector<16xi32>,
    "tpu.region"() ({
      %run_scoped3A = tpu.sem_alloc : memref<!tpu.dma_semaphore, #tpu.memory_space<semaphore_mem>>
      %dma_start3A_475 = tpu.memref_slice %arg7[%mul3A_2] : memref<4096xi32, #tpu.memory_space<hbm>> -> memref<128xi32, #tpu.memory_space<hbm>>
      %dma_start3A_476 = tpu.memref_slice %arg7[%mul3A_2] : memref<4096xi32, #tpu.memory_space<hbm>> -> memref<128xi32, #tpu.memory_space<hbm>>
      tpu.enqueue_dma source(%arg11 : memref<128xi32, #tpu.memory_space<vmem>>) target(%dma_start3A_476 : memref<128xi32, #tpu.memory_space<hbm>>) target_semaphore(%run_scoped3A : memref<!tpu.dma_semaphore, #tpu.memory_space<semaphore_mem>>)
      %dma_wait3A_477 = tpu.memref_slice %arg7[%mul3A_2] : memref<4096xi32, #tpu.memory_space<hbm>> -> memref<128xi32, #tpu.memory_space<hbm>>
      %dma_wait3A_478 = tpu.memref_slice %arg7[%mul3A_2] : memref<4096xi32, #tpu.memory_space<hbm>> -> memref<128xi32, #tpu.memory_space<hbm>>
      tpu.wait_dma2 semaphore(%run_scoped3A : memref<!tpu.dma_semaphore, #tpu.memory_space<semaphore_mem>>) src(%arg11 : memref<128xi32, #tpu.memory_space<vmem>>) dst(%dma_wait3A_478 : memref<128xi32, #tpu.memory_space<hbm>>)
      tpu.yield
    }) : () -> ()
    %dma_wait3A_469 = arith.constant 0 : i32
    %dma_wait3A_470 = tpu.memref_slice %arg2[%select_n3A, %mul3A_34, %dma_wait3A_469] : memref<2x2048x768xf32, #tpu.memory_space<hbm>> -> memref<1x128x768xf32, #tpu.memory_space<hbm>>
    %dma_wait3A_471 = tpu.memref_squeeze %dma_wait3A_470 : memref<1x128x768xf32, #tpu.memory_space<hbm>> -> memref<128x768xf32, #tpu.memory_space<hbm>>
    %dma_wait3A_472 = arith.constant 0 : i32
    %dma_wait3A_473 = tpu.memref_slice %arg2[%select_n3A, %mul3A_34, %dma_wait3A_472] : memref<2x2048x768xf32, #tpu.memory_space<hbm>> -> memref<1x128x768xf32, #tpu.memory_space<hbm>>
    %dma_wait3A_474 = tpu.memref_squeeze %dma_wait3A_473 : memref<1x128x768xf32, #tpu.memory_space<hbm>> -> memref<128x768xf32, #tpu.memory_space<hbm>>
    tpu.wait_dma2 semaphore(%arg13 : memref<!tpu.dma_semaphore, #tpu.memory_space<semaphore_mem>>) src(%dma_wait3A_474 : memref<128x768xf32, #tpu.memory_space<hbm>>) dst(%arg12 : memref<128x768xf32, #tpu.memory_space<vmem>>)
    "tpu.region"() ({
      %run_scoped3A = tpu.sem_alloc : memref<!tpu.dma_semaphore, #tpu.memory_space<semaphore_mem>>
      %dma_start3A_475 = arith.constant 0 : i32
      %dma_start3A_476 = arith.constant 0 : i32
      %dma_start3A_477 = tpu.memref_slice %arg6[%dma_start3A_475, %dma_start3A_476] : memref<4096x768xf32, #tpu.memory_space<hbm>> -> memref<4096x768xf32, #tpu.memory_space<hbm>>
      tpu.enqueue_indirect_dma source(%arg12 : memref<128x768xf32, #tpu.memory_space<vmem>>) target(%dma_start3A_477 : memref<4096x768xf32, #tpu.memory_space<hbm>>) offsets(%arg11 : memref<128xi32, #tpu.memory_space<vmem>>) semaphore(%run_scoped3A : memref<!tpu.dma_semaphore, #tpu.memory_space<semaphore_mem>>)
      %dma_wait3A_478 = arith.constant 0 : i32
      %dma_wait3A_479 = arith.constant 0 : i32
      %dma_wait3A_480 = tpu.memref_slice %arg6[%dma_wait3A_478, %dma_wait3A_479] : memref<4096x768xf32, #tpu.memory_space<hbm>> -> memref<4096x768xf32, #tpu.memory_space<hbm>>
      tpu.wait_indirect_dma semaphore(%run_scoped3A : memref<!tpu.dma_semaphore, #tpu.memory_space<semaphore_mem>>) src(%arg12 : memref<128x768xf32, #tpu.memory_space<vmem>>) dst(%dma_wait3A_480 : memref<4096x768xf32, #tpu.memory_space<hbm>>)
      tpu.yield
    }) : () -> ()
    return
  }
}

module attributes {stable_mosaic.version = 14 : i64} {
  func.func @_router_body(%arg0: i32, %arg1: memref<1x1024x768xf32, #tpu.memory_space<vmem>>, %arg2: memref<768x384xf32, #tpu.memory_space<vmem>>, %arg3: memref<1x384xf32, #tpu.memory_space<vmem>>, %arg4: memref<384x8xf32, #tpu.memory_space<vmem>>, %arg5: memref<1x8xf32, #tpu.memory_space<vmem>>, %arg6: memref<1x1x1024xi32, #tpu.memory_space<vmem>>, %arg7: memref<1x1x1024xi32, #tpu.memory_space<vmem>>, %arg8: memref<8x1xf32, #tpu.memory_space<vmem>>, %arg9: memref<8x1xf32, #tpu.memory_space<vmem>>, %arg10: memref<1024x1024xf32, #tpu.memory_space<vmem>>) attributes {dimension_semantics = [#tpu.dimension_semantics<arbitrary>], iteration_bounds = array<i64: 4>, scalar_prefetch = 0 : i64, scratch_operands = 2 : i64, tpu.core_type = #tpu.core_type<tc>, window_params = [{transform_indices = @transform_0, window_bounds = array<i64: 1, 1024, 768>}, {pipeline_mode = #tpu.pipeline_mode<synchronous>, transform_indices = @transform_1, window_bounds = array<i64: 768, 384>}, {pipeline_mode = #tpu.pipeline_mode<synchronous>, transform_indices = @transform_2, window_bounds = array<i64: 1, 384>}, {pipeline_mode = #tpu.pipeline_mode<synchronous>, transform_indices = @transform_3, window_bounds = array<i64: 384, 8>}, {pipeline_mode = #tpu.pipeline_mode<synchronous>, transform_indices = @transform_4, window_bounds = array<i64: 1, 8>}, {transform_indices = @transform_5, window_bounds = array<i64: 1, 1, 1024>}, {transform_indices = @transform_6, window_bounds = array<i64: 1, 1, 1024>}, {pipeline_mode = #tpu.pipeline_mode<synchronous>, transform_indices = @transform_7, window_bounds = array<i64: 8, 1>}]} {
    %eq3A = arith.constant 0 : i32
    %eq3A_0 = arith.cmpi eq, %arg0, %eq3A : i32
    %convert_element_type3A = arith.extui %eq3A_0 : i1 to i32
    %cond3A = arith.constant 0 : i32
    %cond3A_1 = arith.cmpi ne, %convert_element_type3A, %cond3A : i32
    scf.if %cond3A_1 {
      %broadcast_in_dim3A_76 = arith.constant 0.000000e+00 : f32
      %broadcast_in_dim3A_77 = vector.broadcast %broadcast_in_dim3A_76 : f32 to vector<8x1xf32>
      %swap3A_78 = arith.constant 0 : index
      %swap3A_79 = arith.constant 0 : index
      %swap3A_80 = vector.load %arg9[%swap3A_78, %swap3A_79] : memref<8x1xf32, #tpu.memory_space<vmem>>, vector<8x1xf32>
      tpu.vector_store %arg9[%swap3A_78, %swap3A_79], %broadcast_in_dim3A_77 {strides = array<i32>} : memref<8x1xf32, #tpu.memory_space<vmem>>, vector<8x1xf32>,
      %iota3A_81 = tpu.iota {dimensions = array<i32: 0>} : vector<1024x1024xi32>
      %iota3A_82 = tpu.iota {dimensions = array<i32: 1>} : vector<1024x1024xi32>
      %lt3A_83 = arith.cmpi slt, %iota3A_81, %iota3A_82 : vector<1024x1024xi32>
      %convert_element_type3A_84 = arith.extui %lt3A_83 : vector<1024x1024xi1> to vector<1024x1024xi32>
      %convert_element_type3A_85 = arith.sitofp %convert_element_type3A_84 : vector<1024x1024xi32> to vector<1024x1024xf32>
      %swap3A_86 = arith.constant 0 : index
      %swap3A_87 = arith.constant 0 : index
      %swap3A_88 = vector.load %arg10[%swap3A_86, %swap3A_87] : memref<1024x1024xf32, #tpu.memory_space<vmem>>, vector<1024x1024xf32>
      tpu.vector_store %arg10[%swap3A_86, %swap3A_87], %convert_element_type3A_85 {strides = array<i32>} : memref<1024x1024xf32, #tpu.memory_space<vmem>>, vector<1024x1024xf32>,
    } else {
    }
    %get3A = arith.constant 0 : index
    %get3A_2 = arith.constant 0 : index
    %get3A_3 = arith.constant 0 : index
    %get3A_4 = vector.load %arg1[%get3A, %get3A_2, %get3A_3] : memref<1x1024x768xf32, #tpu.memory_space<vmem>>, vector<1x1024x768xf32>
    %get3A_5 = vector.shape_cast %get3A_4 : vector<1x1024x768xf32> to vector<1024x768xf32>
    %get3A_6 = arith.constant 0 : index
    %get3A_7 = arith.constant 0 : index
    %get3A_8 = vector.load %arg2[%get3A_6, %get3A_7] : memref<768x384xf32, #tpu.memory_space<vmem>>, vector<768x384xf32>
    %dot_general3A = arith.constant dense<0.000000e+00> : vector<1024x384xf32>
    %dot_general3A_9 = tpu.matmul %get3A_5, %get3A_8, %dot_general3A {dimension_numbers = #tpu.dot_dimension_numbers<[1], [0], [0], [1], [0, 0, 1, 1], [], []>, transpose_lhs_hint = false} : vector<1024x768xf32>, vector<768x384xf32>, vector<1024x384xf32> -> vector<1024x384xf32>
    %get3A_10 = arith.constant 0 : index
    %get3A_11 = arith.constant 0 : index
    %get3A_12 = vector.load %arg3[%get3A_10, %get3A_11] : memref<1x384xf32, #tpu.memory_space<vmem>>, vector<1x384xf32>
    %add3A = vector.broadcast %get3A_12 : vector<1x384xf32> to vector<1024x384xf32>
    %add3A_13 = arith.addf %dot_general3A_9, %add3A : vector<1024x384xf32>
    %max3A = arith.constant 0.000000e+00 : f32
    %max3A_14 = vector.broadcast %max3A : f32 to vector<1024x384xf32>
    %max3A_15 = arith.maximumf %add3A_13, %max3A_14 : vector<1024x384xf32>
    %get3A_16 = arith.constant 0 : index
    %get3A_17 = arith.constant 0 : index
    %get3A_18 = vector.load %arg4[%get3A_16, %get3A_17] : memref<384x8xf32, #tpu.memory_space<vmem>>, vector<384x8xf32>
    %dot_general3A_19 = arith.constant dense<0.000000e+00> : vector<1024x8xf32>
    %dot_general3A_20 = tpu.matmul %max3A_15, %get3A_18, %dot_general3A_19 {dimension_numbers = #tpu.dot_dimension_numbers<[1], [0], [0], [1], [0, 0, 1, 1], [], []>, transpose_lhs_hint = false} : vector<1024x384xf32>, vector<384x8xf32>, vector<1024x8xf32> -> vector<1024x8xf32>
    %get3A_21 = arith.constant 0 : index
    %get3A_22 = arith.constant 0 : index
    %get3A_23 = vector.load %arg5[%get3A_21, %get3A_22] : memref<1x8xf32, #tpu.memory_space<vmem>>, vector<1x8xf32>
    %add3A_24 = vector.broadcast %get3A_23 : vector<1x8xf32> to vector<1024x8xf32>
    %add3A_25 = arith.addf %dot_general3A_20, %add3A_24 : vector<1024x8xf32>
    %transpose3A = tpu.transpose %add3A_25, [1, 0] : vector<1024x8xf32> -> vector<8x1024xf32>
    %reduce_max3A = arith.constant dense<0xFF800000> : vector<1024xf32>
    %reduce_max3A_26 = vector.multi_reduction <maximumf>, %transpose3A, %reduce_max3A [0] : vector<8x1024xf32> to vector<1024xf32>
    %broadcast_in_dim3A = vector.shape_cast %reduce_max3A_26 : vector<1024xf32> to vector<1x1024xf32>
    %iota3A = tpu.iota {dimensions = array<i32: 0>} : vector<8x1024xi32>
    %eq3A_27 = vector.broadcast %broadcast_in_dim3A : vector<1x1024xf32> to vector<8x1024xf32>
    %eq3A_28 = arith.cmpf oeq, %transpose3A, %eq3A_27 : vector<8x1024xf32>
    %jit3A = arith.constant 8 : i32
    %broadcast_in_dim3A_29 = vector.broadcast %jit3A : i32 to vector<8x1024xi32>
    %select_n3A = arith.select %eq3A_28, %iota3A, %broadcast_in_dim3A_29 : vector<8x1024xi1>, vector<8x1024xi32>
    %reduce_min3A = arith.constant dense<2147483647> : vector<1024xi32>
    %reduce_min3A_30 = vector.multi_reduction <minsi>, %select_n3A, %reduce_min3A [0] : vector<8x1024xi32> to vector<1024xi32>
    %swap3A = arith.constant 0 : index
    %swap3A_31 = arith.constant 0 : index
    %swap3A_32 = arith.constant 0 : index
    %swap3A_33 = vector.load %arg6[%swap3A, %swap3A_31, %swap3A_32] : memref<1x1x1024xi32, #tpu.memory_space<vmem>>, vector<1x1x1024xi32>
    %swap3A_34 = vector.shape_cast %swap3A_33 : vector<1x1x1024xi32> to vector<1024xi32>
    %swap3A_35 = vector.shape_cast %reduce_min3A_30 : vector<1024xi32> to vector<1x1x1024xi32>
    tpu.vector_store %arg6[%swap3A, %swap3A_31, %swap3A_32], %swap3A_35 {strides = array<i32>} : memref<1x1x1024xi32, #tpu.memory_space<vmem>>, vector<1x1x1024xi32>,
    %broadcast_in_dim3A_36 = vector.shape_cast %reduce_min3A_30 : vector<1024xi32> to vector<1x1024xi32>
    %eq3A_37 = vector.broadcast %broadcast_in_dim3A_36 : vector<1x1024xi32> to vector<8x1024xi32>
    %eq3A_38 = arith.cmpi eq, %iota3A, %eq3A_37 : vector<8x1024xi32>
    %convert_element_type3A_39 = arith.extui %eq3A_38 : vector<8x1024xi1> to vector<8x1024xi32>
    %convert_element_type3A_40 = arith.sitofp %convert_element_type3A_39 : vector<8x1024xi32> to vector<8x1024xf32>
    %get3A_41 = arith.constant 0 : index
    %get3A_42 = arith.constant 0 : index
    %get3A_43 = vector.load %arg10[%get3A_41, %get3A_42] : memref<1024x1024xf32, #tpu.memory_space<vmem>>, vector<1024x1024xf32>
    %dot_general3A_44 = arith.constant dense<0.000000e+00> : vector<8x1024xf32>
    %dot_general3A_45 = tpu.matmul %convert_element_type3A_40, %get3A_43, %dot_general3A_44 {dimension_numbers = #tpu.dot_dimension_numbers<[1], [0], [0], [1], [0, 0, 1, 1], [], []>, transpose_lhs_hint = false} : vector<8x1024xf32>, vector<1024x1024xf32>, vector<8x1024xf32> -> vector<8x1024xf32>
    %get3A_46 = arith.constant 0 : index
    %get3A_47 = arith.constant 0 : index
    %get3A_48 = vector.load %arg9[%get3A_46, %get3A_47] : memref<8x1xf32, #tpu.memory_space<vmem>>, vector<8x1xf32>
    %add3A_49 = vector.broadcast %get3A_48 : vector<8x1xf32> to vector<8x1024xf32>
    %add3A_50 = arith.addf %dot_general3A_45, %add3A_49 : vector<8x1024xf32>
    %mul3A = arith.mulf %convert_element_type3A_40, %add3A_50 : vector<8x1024xf32>
    %reduce_sum3A = arith.constant dense<0.000000e+00> : vector<1024xf32>
    %reduce_sum3A_51 = vector.multi_reduction <add>, %mul3A, %reduce_sum3A [0] : vector<8x1024xf32> to vector<1024xf32>
    %convert_element_type3A_52 = arith.fptosi %reduce_sum3A_51 : vector<1024xf32> to vector<1024xi32>
    %swap3A_53 = arith.constant 0 : index
    %swap3A_54 = arith.constant 0 : index
    %swap3A_55 = arith.constant 0 : index
    %swap3A_56 = vector.load %arg7[%swap3A_53, %swap3A_54, %swap3A_55] : memref<1x1x1024xi32, #tpu.memory_space<vmem>>, vector<1x1x1024xi32>
    %swap3A_57 = vector.shape_cast %swap3A_56 : vector<1x1x1024xi32> to vector<1024xi32>
    %swap3A_58 = vector.shape_cast %convert_element_type3A_52 : vector<1024xi32> to vector<1x1x1024xi32>
    tpu.vector_store %arg7[%swap3A_53, %swap3A_54, %swap3A_55], %swap3A_58 {strides = array<i32>} : memref<1x1x1024xi32, #tpu.memory_space<vmem>>, vector<1x1x1024xi32>,
    %broadcast_in_dim3A_59 = arith.constant 1.000000e+00 : f32
    %broadcast_in_dim3A_60 = vector.broadcast %broadcast_in_dim3A_59 : f32 to vector<1024x1xf32>
    %dot_general3A_61 = arith.constant dense<0.000000e+00> : vector<8x1xf32>
    %dot_general3A_62 = tpu.matmul %convert_element_type3A_40, %broadcast_in_dim3A_60, %dot_general3A_61 {dimension_numbers = #tpu.dot_dimension_numbers<[1], [0], [0], [1], [0, 0, 1, 1], [], []>, transpose_lhs_hint = false} : vector<8x1024xf32>, vector<1024x1xf32>, vector<8x1xf32> -> vector<8x1xf32>
    %add3A_63 = arith.addf %get3A_48, %dot_general3A_62 : vector<8x1xf32>
    %swap3A_64 = arith.constant 0 : index
    %swap3A_65 = arith.constant 0 : index
    %swap3A_66 = vector.load %arg9[%swap3A_64, %swap3A_65] : memref<8x1xf32, #tpu.memory_space<vmem>>, vector<8x1xf32>
    tpu.vector_store %arg9[%swap3A_64, %swap3A_65], %add3A_63 {strides = array<i32>} : memref<8x1xf32, #tpu.memory_space<vmem>>, vector<8x1xf32>,
    %iota3A_67 = tpu.iota {dimensions = array<i32: 0>} : vector<8x8xi32>
    %iota3A_68 = tpu.iota {dimensions = array<i32: 1>} : vector<8x8xi32>
    %lt3A = arith.cmpi slt, %iota3A_68, %iota3A_67 : vector<8x8xi32>
    %convert_element_type3A_69 = arith.extui %lt3A : vector<8x8xi1> to vector<8x8xi32>
    %convert_element_type3A_70 = arith.sitofp %convert_element_type3A_69 : vector<8x8xi32> to vector<8x8xf32>
    %dot_general3A_71 = arith.constant dense<0.000000e+00> : vector<8x1xf32>
    %dot_general3A_72 = tpu.matmul %convert_element_type3A_70, %add3A_63, %dot_general3A_71 {dimension_numbers = #tpu.dot_dimension_numbers<[1], [0], [0], [1], [0, 0, 1, 1], [], []>, precision = #tpu.contract_precision<fp32>, transpose_lhs_hint = false} : vector<8x8xf32>, vector<8x1xf32>, vector<8x1xf32> -> vector<8x1xf32>
    %swap3A_73 = arith.constant 0 : index
    %swap3A_74 = arith.constant 0 : index
    %swap3A_75 = vector.load %arg8[%swap3A_73, %swap3A_74] : memref<8x1xf32, #tpu.memory_space<vmem>>, vector<8x1xf32>
    tpu.vector_store %arg8[%swap3A_73, %swap3A_74], %dot_general3A_72 {strides = array<i32>} : memref<8x1xf32, #tpu.memory_space<vmem>>, vector<8x1xf32>,
    return
  }
  func.func @transform_0(%arg0: i32) -> (i32, i32, i32) {
    %jit3A = arith.constant 2 : i32
    %div3A = arith.divsi %arg0, %jit3A : i32
    %sign3A = arith.constant 0 : i32
    %sign3A_0 = arith.cmpi sgt, %arg0, %sign3A : i32
    %sign3A_1 = arith.extui %sign3A_0 : i1 to i32
    %sign3A_2 = arith.constant 0 : i32
    %sign3A_3 = arith.cmpi slt, %arg0, %sign3A_2 : i32
    %sign3A_4 = arith.extui %sign3A_3 : i1 to i32
    %sign3A_5 = arith.subi %sign3A_1, %sign3A_4 : i32
    %sign3A_6 = arith.constant 0 : i32
    %sign3A_7 = arith.cmpi sgt, %jit3A, %sign3A_6 : i32
    %sign3A_8 = arith.extui %sign3A_7 : i1 to i32
    %sign3A_9 = arith.constant 0 : i32
    %sign3A_10 = arith.cmpi slt, %jit3A, %sign3A_9 : i32
    %sign3A_11 = arith.extui %sign3A_10 : i1 to i32
    %sign3A_12 = arith.subi %sign3A_8, %sign3A_11 : i32
    %ne3A = arith.cmpi ne, %sign3A_5, %sign3A_12 : i32
    %rem3A = arith.remsi %arg0, %jit3A : i32
    %ne3A_13 = arith.constant 0 : i32
    %ne3A_14 = arith.cmpi ne, %rem3A, %ne3A_13 : i32
    %and3A = arith.andi %ne3A, %ne3A_14 : i1
    %sub3A = arith.constant 1 : i32
    %sub3A_15 = arith.subi %div3A, %sub3A : i32
    %select_n3A = arith.select %and3A, %sub3A_15, %div3A : i32
    %jit3A_16 = arith.constant 2 : i32
    %eq3A = arith.constant 0 : i32
    %eq3A_17 = arith.cmpi eq, %jit3A_16, %eq3A : i32
    %jit3A_18 = arith.constant 1 : i32
    %select_n3A_19 = arith.select %eq3A_17, %jit3A_18, %jit3A_16 : i32
    %rem3A_20 = arith.remsi %arg0, %select_n3A_19 : i32
    %ne3A_21 = arith.constant 0 : i32
    %ne3A_22 = arith.cmpi ne, %rem3A_20, %ne3A_21 : i32
    %lt3A = arith.constant 0 : i32
    %lt3A_23 = arith.cmpi slt, %rem3A_20, %lt3A : i32
    %lt3A_24 = arith.constant 0 : i32
    %lt3A_25 = arith.cmpi slt, %select_n3A_19, %lt3A_24 : i32
    %ne3A_26 = arith.xori %lt3A_23, %lt3A_25 : i1
    %and3A_27 = arith.andi %ne3A_26, %ne3A_22 : i1
    %add3A = arith.addi %rem3A_20, %select_n3A_19 : i32
    %select_n3A_28 = arith.select %and3A_27, %add3A, %rem3A_20 : i32
    %c0_i32 = arith.constant 0 : i32
    %c0_i32_29 = arith.constant 0 : i32
    return %select_n3A, %select_n3A_28, %c0_i32 : i32, i32, i32
  }
  func.func @transform_1(%arg0: i32) -> (i32, i32) {
    %c0_i32 = arith.constant 0 : i32
    %c0_i32_0 = arith.constant 0 : i32
    %c0_i32_1 = arith.constant 0 : i32
    return %c0_i32, %c0_i32_0 : i32, i32
  }
  func.func @transform_2(%arg0: i32) -> (i32, i32) {
    %c0_i32 = arith.constant 0 : i32
    %c0_i32_0 = arith.constant 0 : i32
    %c0_i32_1 = arith.constant 0 : i32
    return %c0_i32, %c0_i32_0 : i32, i32
  }
  func.func @transform_3(%arg0: i32) -> (i32, i32) {
    %c0_i32 = arith.constant 0 : i32
    %c0_i32_0 = arith.constant 0 : i32
    %c0_i32_1 = arith.constant 0 : i32
    return %c0_i32, %c0_i32_0 : i32, i32
  }
  func.func @transform_4(%arg0: i32) -> (i32, i32) {
    %c0_i32 = arith.constant 0 : i32
    %c0_i32_0 = arith.constant 0 : i32
    %c0_i32_1 = arith.constant 0 : i32
    return %c0_i32, %c0_i32_0 : i32, i32
  }
  func.func @transform_5(%arg0: i32) -> (i32, i32, i32) {
    %c0_i32 = arith.constant 0 : i32
    %c0_i32_0 = arith.constant 0 : i32
    %c0_i32_1 = arith.constant 0 : i32
    return %arg0, %c0_i32, %c0_i32_0 : i32, i32, i32
  }
  func.func @transform_6(%arg0: i32) -> (i32, i32, i32) {
    %c0_i32 = arith.constant 0 : i32
    %c0_i32_0 = arith.constant 0 : i32
    %c0_i32_1 = arith.constant 0 : i32
    return %arg0, %c0_i32, %c0_i32_0 : i32, i32, i32
  }
  func.func @transform_7(%arg0: i32) -> (i32, i32) {
    %c0_i32 = arith.constant 0 : i32
    %c0_i32_0 = arith.constant 0 : i32
    %c0_i32_1 = arith.constant 0 : i32
    return %c0_i32, %c0_i32_0 : i32, i32
  }
}

module attributes {stable_mosaic.version = 14 : i64} {
  func.func @_moe_body(%arg0: i32, %arg1: memref<8xi32, #tpu.memory_space<smem>>, %arg2: memref<512x768xf32, #tpu.memory_space<vmem>>, %arg3: memref<8x768x768xbf16, #tpu.memory_space<vmem>>, %arg4: memref<8x768xf32, #tpu.memory_space<vmem>>, %arg5: memref<512x768xf32, #tpu.memory_space<vmem>>) attributes {dimension_semantics = [#tpu.dimension_semantics<arbitrary>], iteration_bounds = array<i64: 8>, scalar_prefetch = 1 : i64, scratch_operands = 0 : i64, tpu.core_type = #tpu.core_type<tc>, window_params = [{transform_indices = @transform_0, window_bounds = array<i64: 512, 768>}, {pipeline_mode = #tpu.pipeline_mode<synchronous>, transform_indices = @transform_1, window_bounds = array<i64: 8, 768, 768>}, {pipeline_mode = #tpu.pipeline_mode<synchronous>, transform_indices = @transform_2, window_bounds = array<i64: 8, 768>}, {transform_indices = @transform_3, window_bounds = array<i64: 512, 768>}]} {
    %mul3A = arith.constant 512 : i32
    %mul3A_0 = arith.muli %arg0, %mul3A : i32
    %iota3A = tpu.iota {dimensions = array<i32: 0>} : vector<512x1xi32>
    %add3A = vector.broadcast %mul3A_0 : i32 to vector<512x1xi32>
    %add3A_1 = arith.addi %add3A, %iota3A : vector<512x1xi32>
    %get3A = arith.constant 0 : index
    %get3A_2 = arith.constant 0 : index
    %get3A_3 = vector.load %arg2[%get3A, %get3A_2] : memref<512x768xf32, #tpu.memory_space<vmem>>, vector<512x768xf32>
    %convert_element_type3A = arith.truncf %get3A_3 : vector<512x768xf32> to vector<512x768xbf16>
    %get3A_4 = arith.constant 0 : index
    %get3A_5 = memref.load %arg1[%get3A_4] : memref<8xi32, #tpu.memory_space<smem>>
    %get3A_6 = arith.constant 1 : index
    %get3A_7 = memref.load %arg1[%get3A_6] : memref<8xi32, #tpu.memory_space<smem>>
    %add3A_8 = arith.constant 512 : i32
    %add3A_9 = arith.addi %mul3A_0, %add3A_8 : i32
    %lt3A = arith.cmpi slt, %get3A_5, %add3A_9 : i32
    %gt3A = arith.cmpi sgt, %get3A_7, %mul3A_0 : i32
    %and3A = arith.andi %lt3A, %gt3A : i1
    %convert_element_type3A_10 = arith.extui %and3A : i1 to i32
    %cond3A = arith.constant 0 : i32
    %cond3A_11 = arith.cmpi ne, %convert_element_type3A_10, %cond3A : i32
    scf.if %cond3A_11 {
      %ge3A = vector.broadcast %get3A_5 : i32 to vector<512x1xi32>
      %ge3A_95 = arith.cmpi sge, %add3A_1, %ge3A : vector<512x1xi32>
      %lt3A_96 = vector.broadcast %get3A_7 : i32 to vector<512x1xi32>
      %lt3A_97 = arith.cmpi slt, %add3A_1, %lt3A_96 : vector<512x1xi32>
      %and3A_98 = arith.andi %ge3A_95, %lt3A_97 : vector<512x1xi1>
      %get3A_99 = arith.constant 0 : index
      %get3A_100 = arith.constant 0 : index
      %get3A_101 = arith.constant 0 : index
      %get3A_102 = vector.load %arg3[%get3A_99, %get3A_100, %get3A_101] : memref<8x768x768xbf16, #tpu.memory_space<vmem>>, vector<1x768x768xbf16>
      %get3A_103 = vector.shape_cast %get3A_102 : vector<1x768x768xbf16> to vector<768x768xbf16>
      %dot_general3A = arith.constant dense<0.000000e+00> : vector<512x768xf32>
      %dot_general3A_104 = tpu.matmul %convert_element_type3A, %get3A_103, %dot_general3A {dimension_numbers = #tpu.dot_dimension_numbers<[1], [0], [0], [1], [0, 0, 1, 1], [], []>, transpose_lhs_hint = false} : vector<512x768xbf16>, vector<768x768xbf16>, vector<512x768xf32> -> vector<512x768xf32>
      %get3A_105 = arith.constant 0 : index
      %get3A_106 = arith.constant 0 : index
      %get3A_107 = vector.load %arg4[%get3A_105, %get3A_106] : memref<8x768xf32, #tpu.memory_space<vmem>>, vector<1x768xf32>
      %get3A_108 = vector.shape_cast %get3A_107 : vector<1x768xf32> to vector<768xf32>
      %broadcast_in_dim3A = vector.shape_cast %get3A_108 : vector<768xf32> to vector<1x768xf32>
      %add3A_109 = vector.broadcast %broadcast_in_dim3A : vector<1x768xf32> to vector<512x768xf32>
      %add3A_110 = arith.addf %dot_general3A_104, %add3A_109 : vector<512x768xf32>
      %get3A_111 = arith.constant 0 : index
      %get3A_112 = arith.constant 0 : index
      %get3A_113 = vector.load %arg5[%get3A_111, %get3A_112] : memref<512x768xf32, #tpu.memory_space<vmem>>, vector<512x768xf32>
      %broadcast_in_dim3A_114 = vector.shape_cast %and3A_98 : vector<512x1xi1> to vector<512x1xi1>
      %broadcast_in_dim3A_115 = vector.broadcast %broadcast_in_dim3A_114 : vector<512x1xi1> to vector<512x768xi1>
      %select_n3A = arith.select %broadcast_in_dim3A_115, %add3A_110, %get3A_113 : vector<512x768xi1>, vector<512x768xf32>
      %swap3A = arith.constant 0 : index
      %swap3A_116 = arith.constant 0 : index
      %swap3A_117 = vector.load %arg5[%swap3A, %swap3A_116] : memref<512x768xf32, #tpu.memory_space<vmem>>, vector<512x768xf32>
      tpu.vector_store %arg5[%swap3A, %swap3A_116], %select_n3A {strides = array<i32>} : memref<512x768xf32, #tpu.memory_space<vmem>>, vector<512x768xf32>,
    } else {
    }
    %get3A_12 = arith.constant 1 : index
    %get3A_13 = memref.load %arg1[%get3A_12] : memref<8xi32, #tpu.memory_space<smem>>
    %get3A_14 = arith.constant 2 : index
    %get3A_15 = memref.load %arg1[%get3A_14] : memref<8xi32, #tpu.memory_space<smem>>
    %add3A_16 = arith.constant 512 : i32
    %add3A_17 = arith.addi %mul3A_0, %add3A_16 : i32
    %lt3A_18 = arith.cmpi slt, %get3A_13, %add3A_17 : i32
    %gt3A_19 = arith.cmpi sgt, %get3A_15, %mul3A_0 : i32
    %and3A_20 = arith.andi %lt3A_18, %gt3A_19 : i1
    %convert_element_type3A_21 = arith.extui %and3A_20 : i1 to i32
    %cond3A_22 = arith.constant 0 : i32
    %cond3A_23 = arith.cmpi ne, %convert_element_type3A_21, %cond3A_22 : i32
    scf.if %cond3A_23 {
      %ge3A = vector.broadcast %get3A_13 : i32 to vector<512x1xi32>
      %ge3A_95 = arith.cmpi sge, %add3A_1, %ge3A : vector<512x1xi32>
      %lt3A_96 = vector.broadcast %get3A_15 : i32 to vector<512x1xi32>
      %lt3A_97 = arith.cmpi slt, %add3A_1, %lt3A_96 : vector<512x1xi32>
      %and3A_98 = arith.andi %ge3A_95, %lt3A_97 : vector<512x1xi1>
      %get3A_99 = arith.constant 1 : index
      %get3A_100 = arith.constant 0 : index
      %get3A_101 = arith.constant 0 : index
      %get3A_102 = vector.load %arg3[%get3A_99, %get3A_100, %get3A_101] : memref<8x768x768xbf16, #tpu.memory_space<vmem>>, vector<1x768x768xbf16>
      %get3A_103 = vector.shape_cast %get3A_102 : vector<1x768x768xbf16> to vector<768x768xbf16>
      %dot_general3A = arith.constant dense<0.000000e+00> : vector<512x768xf32>
      %dot_general3A_104 = tpu.matmul %convert_element_type3A, %get3A_103, %dot_general3A {dimension_numbers = #tpu.dot_dimension_numbers<[1], [0], [0], [1], [0, 0, 1, 1], [], []>, transpose_lhs_hint = false} : vector<512x768xbf16>, vector<768x768xbf16>, vector<512x768xf32> -> vector<512x768xf32>
      %get3A_105 = arith.constant 1 : index
      %get3A_106 = arith.constant 0 : index
      %get3A_107 = vector.load %arg4[%get3A_105, %get3A_106] : memref<8x768xf32, #tpu.memory_space<vmem>>, vector<1x768xf32>
      %get3A_108 = vector.shape_cast %get3A_107 : vector<1x768xf32> to vector<768xf32>
      %broadcast_in_dim3A = vector.shape_cast %get3A_108 : vector<768xf32> to vector<1x768xf32>
      %add3A_109 = vector.broadcast %broadcast_in_dim3A : vector<1x768xf32> to vector<512x768xf32>
      %add3A_110 = arith.addf %dot_general3A_104, %add3A_109 : vector<512x768xf32>
      %get3A_111 = arith.constant 0 : index
      %get3A_112 = arith.constant 0 : index
      %get3A_113 = vector.load %arg5[%get3A_111, %get3A_112] : memref<512x768xf32, #tpu.memory_space<vmem>>, vector<512x768xf32>
      %broadcast_in_dim3A_114 = vector.shape_cast %and3A_98 : vector<512x1xi1> to vector<512x1xi1>
      %broadcast_in_dim3A_115 = vector.broadcast %broadcast_in_dim3A_114 : vector<512x1xi1> to vector<512x768xi1>
      %select_n3A = arith.select %broadcast_in_dim3A_115, %add3A_110, %get3A_113 : vector<512x768xi1>, vector<512x768xf32>
      %swap3A = arith.constant 0 : index
      %swap3A_116 = arith.constant 0 : index
      %swap3A_117 = vector.load %arg5[%swap3A, %swap3A_116] : memref<512x768xf32, #tpu.memory_space<vmem>>, vector<512x768xf32>
      tpu.vector_store %arg5[%swap3A, %swap3A_116], %select_n3A {strides = array<i32>} : memref<512x768xf32, #tpu.memory_space<vmem>>, vector<512x768xf32>,
    } else {
    }
    %get3A_24 = arith.constant 2 : index
    %get3A_25 = memref.load %arg1[%get3A_24] : memref<8xi32, #tpu.memory_space<smem>>
    %get3A_26 = arith.constant 3 : index
    %get3A_27 = memref.load %arg1[%get3A_26] : memref<8xi32, #tpu.memory_space<smem>>
    %add3A_28 = arith.constant 512 : i32
    %add3A_29 = arith.addi %mul3A_0, %add3A_28 : i32
    %lt3A_30 = arith.cmpi slt, %get3A_25, %add3A_29 : i32
    %gt3A_31 = arith.cmpi sgt, %get3A_27, %mul3A_0 : i32
    %and3A_32 = arith.andi %lt3A_30, %gt3A_31 : i1
    %convert_element_type3A_33 = arith.extui %and3A_32 : i1 to i32
    %cond3A_34 = arith.constant 0 : i32
    %cond3A_35 = arith.cmpi ne, %convert_element_type3A_33, %cond3A_34 : i32
    scf.if %cond3A_35 {
      %ge3A = vector.broadcast %get3A_25 : i32 to vector<512x1xi32>
      %ge3A_95 = arith.cmpi sge, %add3A_1, %ge3A : vector<512x1xi32>
      %lt3A_96 = vector.broadcast %get3A_27 : i32 to vector<512x1xi32>
      %lt3A_97 = arith.cmpi slt, %add3A_1, %lt3A_96 : vector<512x1xi32>
      %and3A_98 = arith.andi %ge3A_95, %lt3A_97 : vector<512x1xi1>
      %get3A_99 = arith.constant 2 : index
      %get3A_100 = arith.constant 0 : index
      %get3A_101 = arith.constant 0 : index
      %get3A_102 = vector.load %arg3[%get3A_99, %get3A_100, %get3A_101] : memref<8x768x768xbf16, #tpu.memory_space<vmem>>, vector<1x768x768xbf16>
      %get3A_103 = vector.shape_cast %get3A_102 : vector<1x768x768xbf16> to vector<768x768xbf16>
      %dot_general3A = arith.constant dense<0.000000e+00> : vector<512x768xf32>
      %dot_general3A_104 = tpu.matmul %convert_element_type3A, %get3A_103, %dot_general3A {dimension_numbers = #tpu.dot_dimension_numbers<[1], [0], [0], [1], [0, 0, 1, 1], [], []>, transpose_lhs_hint = false} : vector<512x768xbf16>, vector<768x768xbf16>, vector<512x768xf32> -> vector<512x768xf32>
      %get3A_105 = arith.constant 2 : index
      %get3A_106 = arith.constant 0 : index
      %get3A_107 = vector.load %arg4[%get3A_105, %get3A_106] : memref<8x768xf32, #tpu.memory_space<vmem>>, vector<1x768xf32>
      %get3A_108 = vector.shape_cast %get3A_107 : vector<1x768xf32> to vector<768xf32>
      %broadcast_in_dim3A = vector.shape_cast %get3A_108 : vector<768xf32> to vector<1x768xf32>
      %add3A_109 = vector.broadcast %broadcast_in_dim3A : vector<1x768xf32> to vector<512x768xf32>
      %add3A_110 = arith.addf %dot_general3A_104, %add3A_109 : vector<512x768xf32>
      %get3A_111 = arith.constant 0 : index
      %get3A_112 = arith.constant 0 : index
      %get3A_113 = vector.load %arg5[%get3A_111, %get3A_112] : memref<512x768xf32, #tpu.memory_space<vmem>>, vector<512x768xf32>
      %broadcast_in_dim3A_114 = vector.shape_cast %and3A_98 : vector<512x1xi1> to vector<512x1xi1>
      %broadcast_in_dim3A_115 = vector.broadcast %broadcast_in_dim3A_114 : vector<512x1xi1> to vector<512x768xi1>
      %select_n3A = arith.select %broadcast_in_dim3A_115, %add3A_110, %get3A_113 : vector<512x768xi1>, vector<512x768xf32>
      %swap3A = arith.constant 0 : index
      %swap3A_116 = arith.constant 0 : index
      %swap3A_117 = vector.load %arg5[%swap3A, %swap3A_116] : memref<512x768xf32, #tpu.memory_space<vmem>>, vector<512x768xf32>
      tpu.vector_store %arg5[%swap3A, %swap3A_116], %select_n3A {strides = array<i32>} : memref<512x768xf32, #tpu.memory_space<vmem>>, vector<512x768xf32>,
    } else {
    }
    %get3A_36 = arith.constant 3 : index
    %get3A_37 = memref.load %arg1[%get3A_36] : memref<8xi32, #tpu.memory_space<smem>>
    %get3A_38 = arith.constant 4 : index
    %get3A_39 = memref.load %arg1[%get3A_38] : memref<8xi32, #tpu.memory_space<smem>>
    %add3A_40 = arith.constant 512 : i32
    %add3A_41 = arith.addi %mul3A_0, %add3A_40 : i32
    %lt3A_42 = arith.cmpi slt, %get3A_37, %add3A_41 : i32
    %gt3A_43 = arith.cmpi sgt, %get3A_39, %mul3A_0 : i32
    %and3A_44 = arith.andi %lt3A_42, %gt3A_43 : i1
    %convert_element_type3A_45 = arith.extui %and3A_44 : i1 to i32
    %cond3A_46 = arith.constant 0 : i32
    %cond3A_47 = arith.cmpi ne, %convert_element_type3A_45, %cond3A_46 : i32
    scf.if %cond3A_47 {
      %ge3A = vector.broadcast %get3A_37 : i32 to vector<512x1xi32>
      %ge3A_95 = arith.cmpi sge, %add3A_1, %ge3A : vector<512x1xi32>
      %lt3A_96 = vector.broadcast %get3A_39 : i32 to vector<512x1xi32>
      %lt3A_97 = arith.cmpi slt, %add3A_1, %lt3A_96 : vector<512x1xi32>
      %and3A_98 = arith.andi %ge3A_95, %lt3A_97 : vector<512x1xi1>
      %get3A_99 = arith.constant 3 : index
      %get3A_100 = arith.constant 0 : index
      %get3A_101 = arith.constant 0 : index
      %get3A_102 = vector.load %arg3[%get3A_99, %get3A_100, %get3A_101] : memref<8x768x768xbf16, #tpu.memory_space<vmem>>, vector<1x768x768xbf16>
      %get3A_103 = vector.shape_cast %get3A_102 : vector<1x768x768xbf16> to vector<768x768xbf16>
      %dot_general3A = arith.constant dense<0.000000e+00> : vector<512x768xf32>
      %dot_general3A_104 = tpu.matmul %convert_element_type3A, %get3A_103, %dot_general3A {dimension_numbers = #tpu.dot_dimension_numbers<[1], [0], [0], [1], [0, 0, 1, 1], [], []>, transpose_lhs_hint = false} : vector<512x768xbf16>, vector<768x768xbf16>, vector<512x768xf32> -> vector<512x768xf32>
      %get3A_105 = arith.constant 3 : index
      %get3A_106 = arith.constant 0 : index
      %get3A_107 = vector.load %arg4[%get3A_105, %get3A_106] : memref<8x768xf32, #tpu.memory_space<vmem>>, vector<1x768xf32>
      %get3A_108 = vector.shape_cast %get3A_107 : vector<1x768xf32> to vector<768xf32>
      %broadcast_in_dim3A = vector.shape_cast %get3A_108 : vector<768xf32> to vector<1x768xf32>
      %add3A_109 = vector.broadcast %broadcast_in_dim3A : vector<1x768xf32> to vector<512x768xf32>
      %add3A_110 = arith.addf %dot_general3A_104, %add3A_109 : vector<512x768xf32>
      %get3A_111 = arith.constant 0 : index
      %get3A_112 = arith.constant 0 : index
      %get3A_113 = vector.load %arg5[%get3A_111, %get3A_112] : memref<512x768xf32, #tpu.memory_space<vmem>>, vector<512x768xf32>
      %broadcast_in_dim3A_114 = vector.shape_cast %and3A_98 : vector<512x1xi1> to vector<512x1xi1>
      %broadcast_in_dim3A_115 = vector.broadcast %broadcast_in_dim3A_114 : vector<512x1xi1> to vector<512x768xi1>
      %select_n3A = arith.select %broadcast_in_dim3A_115, %add3A_110, %get3A_113 : vector<512x768xi1>, vector<512x768xf32>
      %swap3A = arith.constant 0 : index
      %swap3A_116 = arith.constant 0 : index
      %swap3A_117 = vector.load %arg5[%swap3A, %swap3A_116] : memref<512x768xf32, #tpu.memory_space<vmem>>, vector<512x768xf32>
      tpu.vector_store %arg5[%swap3A, %swap3A_116], %select_n3A {strides = array<i32>} : memref<512x768xf32, #tpu.memory_space<vmem>>, vector<512x768xf32>,
    } else {
    }
    %get3A_48 = arith.constant 4 : index
    %get3A_49 = memref.load %arg1[%get3A_48] : memref<8xi32, #tpu.memory_space<smem>>
    %get3A_50 = arith.constant 5 : index
    %get3A_51 = memref.load %arg1[%get3A_50] : memref<8xi32, #tpu.memory_space<smem>>
    %add3A_52 = arith.constant 512 : i32
    %add3A_53 = arith.addi %mul3A_0, %add3A_52 : i32
    %lt3A_54 = arith.cmpi slt, %get3A_49, %add3A_53 : i32
    %gt3A_55 = arith.cmpi sgt, %get3A_51, %mul3A_0 : i32
    %and3A_56 = arith.andi %lt3A_54, %gt3A_55 : i1
    %convert_element_type3A_57 = arith.extui %and3A_56 : i1 to i32
    %cond3A_58 = arith.constant 0 : i32
    %cond3A_59 = arith.cmpi ne, %convert_element_type3A_57, %cond3A_58 : i32
    scf.if %cond3A_59 {
      %ge3A = vector.broadcast %get3A_49 : i32 to vector<512x1xi32>
      %ge3A_95 = arith.cmpi sge, %add3A_1, %ge3A : vector<512x1xi32>
      %lt3A_96 = vector.broadcast %get3A_51 : i32 to vector<512x1xi32>
      %lt3A_97 = arith.cmpi slt, %add3A_1, %lt3A_96 : vector<512x1xi32>
      %and3A_98 = arith.andi %ge3A_95, %lt3A_97 : vector<512x1xi1>
      %get3A_99 = arith.constant 4 : index
      %get3A_100 = arith.constant 0 : index
      %get3A_101 = arith.constant 0 : index
      %get3A_102 = vector.load %arg3[%get3A_99, %get3A_100, %get3A_101] : memref<8x768x768xbf16, #tpu.memory_space<vmem>>, vector<1x768x768xbf16>
      %get3A_103 = vector.shape_cast %get3A_102 : vector<1x768x768xbf16> to vector<768x768xbf16>
      %dot_general3A = arith.constant dense<0.000000e+00> : vector<512x768xf32>
      %dot_general3A_104 = tpu.matmul %convert_element_type3A, %get3A_103, %dot_general3A {dimension_numbers = #tpu.dot_dimension_numbers<[1], [0], [0], [1], [0, 0, 1, 1], [], []>, transpose_lhs_hint = false} : vector<512x768xbf16>, vector<768x768xbf16>, vector<512x768xf32> -> vector<512x768xf32>
      %get3A_105 = arith.constant 4 : index
      %get3A_106 = arith.constant 0 : index
      %get3A_107 = vector.load %arg4[%get3A_105, %get3A_106] : memref<8x768xf32, #tpu.memory_space<vmem>>, vector<1x768xf32>
      %get3A_108 = vector.shape_cast %get3A_107 : vector<1x768xf32> to vector<768xf32>
      %broadcast_in_dim3A = vector.shape_cast %get3A_108 : vector<768xf32> to vector<1x768xf32>
      %add3A_109 = vector.broadcast %broadcast_in_dim3A : vector<1x768xf32> to vector<512x768xf32>
      %add3A_110 = arith.addf %dot_general3A_104, %add3A_109 : vector<512x768xf32>
      %get3A_111 = arith.constant 0 : index
      %get3A_112 = arith.constant 0 : index
      %get3A_113 = vector.load %arg5[%get3A_111, %get3A_112] : memref<512x768xf32, #tpu.memory_space<vmem>>, vector<512x768xf32>
      %broadcast_in_dim3A_114 = vector.shape_cast %and3A_98 : vector<512x1xi1> to vector<512x1xi1>
      %broadcast_in_dim3A_115 = vector.broadcast %broadcast_in_dim3A_114 : vector<512x1xi1> to vector<512x768xi1>
      %select_n3A = arith.select %broadcast_in_dim3A_115, %add3A_110, %get3A_113 : vector<512x768xi1>, vector<512x768xf32>
      %swap3A = arith.constant 0 : index
      %swap3A_116 = arith.constant 0 : index
      %swap3A_117 = vector.load %arg5[%swap3A, %swap3A_116] : memref<512x768xf32, #tpu.memory_space<vmem>>, vector<512x768xf32>
      tpu.vector_store %arg5[%swap3A, %swap3A_116], %select_n3A {strides = array<i32>} : memref<512x768xf32, #tpu.memory_space<vmem>>, vector<512x768xf32>,
    } else {
    }
    %get3A_60 = arith.constant 5 : index
    %get3A_61 = memref.load %arg1[%get3A_60] : memref<8xi32, #tpu.memory_space<smem>>
    %get3A_62 = arith.constant 6 : index
    %get3A_63 = memref.load %arg1[%get3A_62] : memref<8xi32, #tpu.memory_space<smem>>
    %add3A_64 = arith.constant 512 : i32
    %add3A_65 = arith.addi %mul3A_0, %add3A_64 : i32
    %lt3A_66 = arith.cmpi slt, %get3A_61, %add3A_65 : i32
    %gt3A_67 = arith.cmpi sgt, %get3A_63, %mul3A_0 : i32
    %and3A_68 = arith.andi %lt3A_66, %gt3A_67 : i1
    %convert_element_type3A_69 = arith.extui %and3A_68 : i1 to i32
    %cond3A_70 = arith.constant 0 : i32
    %cond3A_71 = arith.cmpi ne, %convert_element_type3A_69, %cond3A_70 : i32
    scf.if %cond3A_71 {
      %ge3A = vector.broadcast %get3A_61 : i32 to vector<512x1xi32>
      %ge3A_95 = arith.cmpi sge, %add3A_1, %ge3A : vector<512x1xi32>
      %lt3A_96 = vector.broadcast %get3A_63 : i32 to vector<512x1xi32>
      %lt3A_97 = arith.cmpi slt, %add3A_1, %lt3A_96 : vector<512x1xi32>
      %and3A_98 = arith.andi %ge3A_95, %lt3A_97 : vector<512x1xi1>
      %get3A_99 = arith.constant 5 : index
      %get3A_100 = arith.constant 0 : index
      %get3A_101 = arith.constant 0 : index
      %get3A_102 = vector.load %arg3[%get3A_99, %get3A_100, %get3A_101] : memref<8x768x768xbf16, #tpu.memory_space<vmem>>, vector<1x768x768xbf16>
      %get3A_103 = vector.shape_cast %get3A_102 : vector<1x768x768xbf16> to vector<768x768xbf16>
      %dot_general3A = arith.constant dense<0.000000e+00> : vector<512x768xf32>
      %dot_general3A_104 = tpu.matmul %convert_element_type3A, %get3A_103, %dot_general3A {dimension_numbers = #tpu.dot_dimension_numbers<[1], [0], [0], [1], [0, 0, 1, 1], [], []>, transpose_lhs_hint = false} : vector<512x768xbf16>, vector<768x768xbf16>, vector<512x768xf32> -> vector<512x768xf32>
      %get3A_105 = arith.constant 5 : index
      %get3A_106 = arith.constant 0 : index
      %get3A_107 = vector.load %arg4[%get3A_105, %get3A_106] : memref<8x768xf32, #tpu.memory_space<vmem>>, vector<1x768xf32>
      %get3A_108 = vector.shape_cast %get3A_107 : vector<1x768xf32> to vector<768xf32>
      %broadcast_in_dim3A = vector.shape_cast %get3A_108 : vector<768xf32> to vector<1x768xf32>
      %add3A_109 = vector.broadcast %broadcast_in_dim3A : vector<1x768xf32> to vector<512x768xf32>
      %add3A_110 = arith.addf %dot_general3A_104, %add3A_109 : vector<512x768xf32>
      %get3A_111 = arith.constant 0 : index
      %get3A_112 = arith.constant 0 : index
      %get3A_113 = vector.load %arg5[%get3A_111, %get3A_112] : memref<512x768xf32, #tpu.memory_space<vmem>>, vector<512x768xf32>
      %broadcast_in_dim3A_114 = vector.shape_cast %and3A_98 : vector<512x1xi1> to vector<512x1xi1>
      %broadcast_in_dim3A_115 = vector.broadcast %broadcast_in_dim3A_114 : vector<512x1xi1> to vector<512x768xi1>
      %select_n3A = arith.select %broadcast_in_dim3A_115, %add3A_110, %get3A_113 : vector<512x768xi1>, vector<512x768xf32>
      %swap3A = arith.constant 0 : index
      %swap3A_116 = arith.constant 0 : index
      %swap3A_117 = vector.load %arg5[%swap3A, %swap3A_116] : memref<512x768xf32, #tpu.memory_space<vmem>>, vector<512x768xf32>
      tpu.vector_store %arg5[%swap3A, %swap3A_116], %select_n3A {strides = array<i32>} : memref<512x768xf32, #tpu.memory_space<vmem>>, vector<512x768xf32>,
    } else {
    }
    %get3A_72 = arith.constant 6 : index
    %get3A_73 = memref.load %arg1[%get3A_72] : memref<8xi32, #tpu.memory_space<smem>>
    %get3A_74 = arith.constant 7 : index
    %get3A_75 = memref.load %arg1[%get3A_74] : memref<8xi32, #tpu.memory_space<smem>>
    %add3A_76 = arith.constant 512 : i32
    %add3A_77 = arith.addi %mul3A_0, %add3A_76 : i32
    %lt3A_78 = arith.cmpi slt, %get3A_73, %add3A_77 : i32
    %gt3A_79 = arith.cmpi sgt, %get3A_75, %mul3A_0 : i32
    %and3A_80 = arith.andi %lt3A_78, %gt3A_79 : i1
    %convert_element_type3A_81 = arith.extui %and3A_80 : i1 to i32
    %cond3A_82 = arith.constant 0 : i32
    %cond3A_83 = arith.cmpi ne, %convert_element_type3A_81, %cond3A_82 : i32
    scf.if %cond3A_83 {
      %ge3A = vector.broadcast %get3A_73 : i32 to vector<512x1xi32>
      %ge3A_95 = arith.cmpi sge, %add3A_1, %ge3A : vector<512x1xi32>
      %lt3A_96 = vector.broadcast %get3A_75 : i32 to vector<512x1xi32>
      %lt3A_97 = arith.cmpi slt, %add3A_1, %lt3A_96 : vector<512x1xi32>
      %and3A_98 = arith.andi %ge3A_95, %lt3A_97 : vector<512x1xi1>
      %get3A_99 = arith.constant 6 : index
      %get3A_100 = arith.constant 0 : index
      %get3A_101 = arith.constant 0 : index
      %get3A_102 = vector.load %arg3[%get3A_99, %get3A_100, %get3A_101] : memref<8x768x768xbf16, #tpu.memory_space<vmem>>, vector<1x768x768xbf16>
      %get3A_103 = vector.shape_cast %get3A_102 : vector<1x768x768xbf16> to vector<768x768xbf16>
      %dot_general3A = arith.constant dense<0.000000e+00> : vector<512x768xf32>
      %dot_general3A_104 = tpu.matmul %convert_element_type3A, %get3A_103, %dot_general3A {dimension_numbers = #tpu.dot_dimension_numbers<[1], [0], [0], [1], [0, 0, 1, 1], [], []>, transpose_lhs_hint = false} : vector<512x768xbf16>, vector<768x768xbf16>, vector<512x768xf32> -> vector<512x768xf32>
      %get3A_105 = arith.constant 6 : index
      %get3A_106 = arith.constant 0 : index
      %get3A_107 = vector.load %arg4[%get3A_105, %get3A_106] : memref<8x768xf32, #tpu.memory_space<vmem>>, vector<1x768xf32>
      %get3A_108 = vector.shape_cast %get3A_107 : vector<1x768xf32> to vector<768xf32>
      %broadcast_in_dim3A = vector.shape_cast %get3A_108 : vector<768xf32> to vector<1x768xf32>
      %add3A_109 = vector.broadcast %broadcast_in_dim3A : vector<1x768xf32> to vector<512x768xf32>
      %add3A_110 = arith.addf %dot_general3A_104, %add3A_109 : vector<512x768xf32>
      %get3A_111 = arith.constant 0 : index
      %get3A_112 = arith.constant 0 : index
      %get3A_113 = vector.load %arg5[%get3A_111, %get3A_112] : memref<512x768xf32, #tpu.memory_space<vmem>>, vector<512x768xf32>
      %broadcast_in_dim3A_114 = vector.shape_cast %and3A_98 : vector<512x1xi1> to vector<512x1xi1>
      %broadcast_in_dim3A_115 = vector.broadcast %broadcast_in_dim3A_114 : vector<512x1xi1> to vector<512x768xi1>
      %select_n3A = arith.select %broadcast_in_dim3A_115, %add3A_110, %get3A_113 : vector<512x768xi1>, vector<512x768xf32>
      %swap3A = arith.constant 0 : index
      %swap3A_116 = arith.constant 0 : index
      %swap3A_117 = vector.load %arg5[%swap3A, %swap3A_116] : memref<512x768xf32, #tpu.memory_space<vmem>>, vector<512x768xf32>
      tpu.vector_store %arg5[%swap3A, %swap3A_116], %select_n3A {strides = array<i32>} : memref<512x768xf32, #tpu.memory_space<vmem>>, vector<512x768xf32>,
    } else {
    }
    %get3A_84 = arith.constant 7 : index
    %get3A_85 = memref.load %arg1[%get3A_84] : memref<8xi32, #tpu.memory_space<smem>>
    %add3A_86 = arith.constant 512 : i32
    %add3A_87 = arith.addi %mul3A_0, %add3A_86 : i32
    %lt3A_88 = arith.cmpi slt, %get3A_85, %add3A_87 : i32
    %lt3A_89 = arith.constant 4096 : i32
    %lt3A_90 = arith.cmpi slt, %mul3A_0, %lt3A_89 : i32
    %and3A_91 = arith.andi %lt3A_88, %lt3A_90 : i1
    %convert_element_type3A_92 = arith.extui %and3A_91 : i1 to i32
    %cond3A_93 = arith.constant 0 : i32
    %cond3A_94 = arith.cmpi ne, %convert_element_type3A_92, %cond3A_93 : i32
    scf.if %cond3A_94 {
      %ge3A = vector.broadcast %get3A_85 : i32 to vector<512x1xi32>
      %ge3A_95 = arith.cmpi sge, %add3A_1, %ge3A : vector<512x1xi32>
      %lt3A_96 = arith.constant 4096 : i32
      %lt3A_97 = vector.broadcast %lt3A_96 : i32 to vector<512x1xi32>
      %lt3A_98 = arith.cmpi slt, %add3A_1, %lt3A_97 : vector<512x1xi32>
      %and3A_99 = arith.andi %ge3A_95, %lt3A_98 : vector<512x1xi1>
      %get3A_100 = arith.constant 7 : index
      %get3A_101 = arith.constant 0 : index
      %get3A_102 = arith.constant 0 : index
      %get3A_103 = vector.load %arg3[%get3A_100, %get3A_101, %get3A_102] : memref<8x768x768xbf16, #tpu.memory_space<vmem>>, vector<1x768x768xbf16>
      %get3A_104 = vector.shape_cast %get3A_103 : vector<1x768x768xbf16> to vector<768x768xbf16>
      %dot_general3A = arith.constant dense<0.000000e+00> : vector<512x768xf32>
      %dot_general3A_105 = tpu.matmul %convert_element_type3A, %get3A_104, %dot_general3A {dimension_numbers = #tpu.dot_dimension_numbers<[1], [0], [0], [1], [0, 0, 1, 1], [], []>, transpose_lhs_hint = false} : vector<512x768xbf16>, vector<768x768xbf16>, vector<512x768xf32> -> vector<512x768xf32>
      %get3A_106 = arith.constant 7 : index
      %get3A_107 = arith.constant 0 : index
      %get3A_108 = vector.load %arg4[%get3A_106, %get3A_107] : memref<8x768xf32, #tpu.memory_space<vmem>>, vector<1x768xf32>
      %get3A_109 = vector.shape_cast %get3A_108 : vector<1x768xf32> to vector<768xf32>
      %broadcast_in_dim3A = vector.shape_cast %get3A_109 : vector<768xf32> to vector<1x768xf32>
      %add3A_110 = vector.broadcast %broadcast_in_dim3A : vector<1x768xf32> to vector<512x768xf32>
      %add3A_111 = arith.addf %dot_general3A_105, %add3A_110 : vector<512x768xf32>
      %get3A_112 = arith.constant 0 : index
      %get3A_113 = arith.constant 0 : index
      %get3A_114 = vector.load %arg5[%get3A_112, %get3A_113] : memref<512x768xf32, #tpu.memory_space<vmem>>, vector<512x768xf32>
      %broadcast_in_dim3A_115 = vector.shape_cast %and3A_99 : vector<512x1xi1> to vector<512x1xi1>
      %broadcast_in_dim3A_116 = vector.broadcast %broadcast_in_dim3A_115 : vector<512x1xi1> to vector<512x768xi1>
      %select_n3A = arith.select %broadcast_in_dim3A_116, %add3A_111, %get3A_114 : vector<512x768xi1>, vector<512x768xf32>
      %swap3A = arith.constant 0 : index
      %swap3A_117 = arith.constant 0 : index
      %swap3A_118 = vector.load %arg5[%swap3A, %swap3A_117] : memref<512x768xf32, #tpu.memory_space<vmem>>, vector<512x768xf32>
      tpu.vector_store %arg5[%swap3A, %swap3A_117], %select_n3A {strides = array<i32>} : memref<512x768xf32, #tpu.memory_space<vmem>>, vector<512x768xf32>,
    } else {
    }
    return
  }
  func.func @transform_0(%arg0: i32, %arg1: memref<8xi32, #tpu.memory_space<smem>>) -> (i32, i32) {
    %c0_i32 = arith.constant 0 : i32
    %c0_i32_0 = arith.constant 0 : i32
    return %arg0, %c0_i32 : i32, i32
  }
  func.func @transform_1(%arg0: i32, %arg1: memref<8xi32, #tpu.memory_space<smem>>) -> (i32, i32, i32) {
    %c0_i32 = arith.constant 0 : i32
    %c0_i32_0 = arith.constant 0 : i32
    %c0_i32_1 = arith.constant 0 : i32
    %c0_i32_2 = arith.constant 0 : i32
    return %c0_i32, %c0_i32_0, %c0_i32_1 : i32, i32, i32
  }
  func.func @transform_2(%arg0: i32, %arg1: memref<8xi32, #tpu.memory_space<smem>>) -> (i32, i32) {
    %c0_i32 = arith.constant 0 : i32
    %c0_i32_0 = arith.constant 0 : i32
    %c0_i32_1 = arith.constant 0 : i32
    return %c0_i32, %c0_i32_0 : i32, i32
  }
  func.func @transform_3(%arg0: i32, %arg1: memref<8xi32, #tpu.memory_space<smem>>) -> (i32, i32) {
    %c0_i32 = arith.constant 0 : i32
    %c0_i32_0 = arith.constant 0 : i32
    return %arg0, %c0_i32 : i32, i32
  }
}

</mosaic_0001>

<sc_bundles>
// kernel: kernel.6.cloned.1.call-start
scs
__scs_entry_jumppad:
0x0: {  	(pc) =	sbr.rel $0x88, $3  }
0x1: {  	(tag) =	ssettag $0x0;
	lr =	simm.s32 $0x1  }
0x2: {  	[smem:$0x3F9A] =	sst lr;
	_ =	strace $0xD0000000  }
0x3: {  	_ = 	snop  }
0x4: {  	_ = 	snop  }
0x5: {  	_ = 	snop  }
0x6: {  	_ = 	snop  }
0x7: {  	_ = 	snop  }
__scs_overlays_trampoline_lowered:
0x8: {  	[smem:$0x3FA9] =	sst s0  }
0x9: {  	[smem:$0x3FAA] =	sst s1  }
0xa: {  	[smem:$0x3FAB] =	sst s2  }
0xb: {  	[smem:$0x3FAC] =	sst s3  }
0xc: {  	[smem:$0x3FAD] =	sst s4  }
0xd: {  	[smem:$0x3FAE] =	sst s5  }
0xe: {  	[smem:$0x3FAF] =	sst s6  }
0xf: {  	[smem:$0x3FB0] =	sst s7  }
0x10: {  	[smem:$0x3FB1] =	sst s8  }
0x11: {  	[smem:$0x3FB2] =	sst s9;
	s0 =	simm.s32 @!p0 $0x0  }
0x12: {  	s1 =	sld [smem:$0x3F98];
	s0 =	simm.s32 @p0 $0x1  }
0x13: {  	[smem:$0x3FB3] =	sst s0;
	s0 =	simm.s32 @!p1 $0x0  }
0x14: {  	s2 =	sld [smem:$0x3F97];
	s0 =	simm.s32 @p1 $0x1  }
0x15: {  	[smem:$0x3FB4] =	sst s0;
	s0 =	simm.s32 @!p2 $0x0  }
0x16: {  	s3 =	sld [smem:$0x3FDB];
	s0 =	simm.s32 @p2 $0x1  }
0x17: {  	s4 =	simm.s32 $0x1BF5;
	[smem:$0x3FB6] =	sst s0  }
0x18: {  	s0 =	sld [smem:$0x3F99];
	_ =	swait.ge [sflag:s4], $0x0  }
0x19: {  	s7 =	sld [smem:$0x3F9A]  }
0x1a: {  	s8 =	sadd.s32 $0xFFFFE003, lr  }
0x1b: {  	s9 =	sadd.s32 $0xFFFFFEF7, lr;
	s5 =	simm.s32 $0xFFFFFFFF;
	p2 =	slt.u32 s8, $0xFFFFF086  }
0x1c: {  	p1 =	slt.u32 s9, $0xF7A;
	s5 =	simm.s32 @!p2 $0x0  }
0x1d: {  	s5 =	simm.s32 @p1 $0x1;
	p0 =	seq.s32 s7, s2  }
0x1e: {  	s7 =	smul.u32 @!p0 $0xF7A, s2;
	p2 =	seq.s32 @!p0 s5, $0x0  }
0x1f: {  	s9 =	smul.u32 $0xF7A, s1;
	s8 =	simm.s32 @!p0 $0x1BF5;
	p2 =	por !p2, p0  }
0x20: {  	[sflag:s8] =	ssyncset.s32 @!p0 $0xFFFFF086;
	s6 =	sadd.s32 @!p0 s3, s7;
	s7 =	simm.s32 @!p0 $0x108  }
0x21: {  	s3 =	sadd.s32 s3, s9;
	s6 =	sadd.s32 @!p0 $0x88, s6;
	s7 =	simm.s32 @p2 $0x1082  }
0x22: {  	[simem:s7], [sflag:s8] =	dma.local @!p0 [hbm:s6], $0xF7A  }
0x23: {  	s9 =	sor.u32 $0xD0000000, s2;
	s6 =	simm.s32 $0x108;
	_ =	swait.ge @!p0 [sflag:s8], $0x0  }
0x24: {  	s3 =	sadd.s32 $0x88, s3;
	s6 =	simm.s32 @!p1 $0x1082;
	[sflag:s4] =	ssyncset.s32 $0xFFFFF086  }
0x25: {  	[simem:s6], [sflag:s4] =	dma.local [hbm:s3], $0xF7A  }
0x26: {  	[smem:$0x3F9A] =	sst s1;
	(tag) =	ssettag s2;
	_ =	strace s9  }
0x27: {  	s1 =	sld [smem:$0x3FAA]  }
0x28: {  	s2 =	sld [smem:$0x3FAB]  }
0x29: {  	s4 =	sld [smem:$0x3FAD]  }
0x2a: {  	p0 =	seq.s32 s5, $0x0;
	s5 =	sld [smem:$0x3FAE]  }
0x2b: {  	s6 =	sld [smem:$0x3FAF]  }
0x2c: {  	s7 =	sld [smem:$0x3FB0]  }
0x2d: {  	s3 =	simm.s32 $0x108;
	s8 =	sld [smem:$0x3FB1]  }
0x2e: {  	s3 =	simm.s32 @!p0 $0x1082;
	s9 =	sld [smem:$0x3FB2]  }
0x2f: {  	lr =	sadd.s32 s0, s3;
	s0 =	sld [smem:$0x3FA9]  }
0x30: {  	s3 =	sld [smem:$0x3FAC]  }
0x31: {  	[smem:$0x3FB5] =	sst s10  }
0x32: {  	s10 =	sld [smem:$0x3FB3];
	_ =	sdelay $0x3  }
0x33: {  	p0 =	seq.s32 s10, $0x1;
	s10 =	sld [smem:$0x3FB5];
	_ =	sdelay $0x3  }
0x34: {  	[smem:$0x3FB5] =	sst s10  }
0x35: {  	s10 =	sld [smem:$0x3FB4];
	_ =	sdelay $0x3  }
0x36: {  	p1 =	seq.s32 s10, $0x1;
	s10 =	sld [smem:$0x3FB5];
	_ =	sdelay $0x3  }
0x37: {  	[smem:$0x3FB5] =	sst s10  }
0x38: {  	s10 =	sld [smem:$0x3FB6]  }
0x39: {  	_ = 	snop;
	(pc) =	sbr.ind lr, $3  }
0x3a: {  	_ = 	snop  }
0x3b: {  	_ = 	snop  }
0x3c: {  	p2 =	seq.s32 s10, $0x1;
	s10 =	sld [smem:$0x3FB5]  }
0x3d: {  	_ =	shalt  }
0x3e: {  	_ =	shalt  }
0x3f: {  	_ =	shalt  }
0x40: {  	_ =	shalt  }
0x41: {  	_ =	shalt  }
0x42: {  	_ =	shalt  }
0x43: {  	_ =	shalt  }
0x44: {  	_ =	shalt  }
0x45: {  	_ =	shalt  }
0x46: {  	_ =	shalt  }
0x47: {  	_ =	shalt  }
0x48: {  	_ =	shalt  }
0x49: {  	_ =	shalt  }
0x4a: {  	_ =	shalt  }
0x4b: {  	_ =	shalt  }
0x4c: {  	_ =	shalt  }
0x4d: {  	_ =	shalt  }
0x4e: {  	_ =	shalt  }
0x4f: {  	_ =	shalt  }
0x50: {  	_ =	shalt  }
0x51: {  	_ =	shalt  }
0x52: {  	_ =	shalt  }
0x53: {  	_ =	shalt  }
0x54: {  	_ =	shalt  }
0x55: {  	_ =	shalt  }
0x56: {  	_ =	shalt  }
0x57: {  	_ =	shalt  }
0x58: {  	_ =	shalt  }
0x59: {  	_ =	shalt  }
0x5a: {  	_ =	shalt  }
0x5b: {  	_ =	shalt  }
0x5c: {  	_ =	shalt  }
0x5d: {  	_ =	shalt  }
0x5e: {  	_ =	shalt  }
0x5f: {  	_ =	shalt  }
0x60: {  	_ =	shalt  }
0x61: {  	_ =	shalt  }
0x62: {  	_ =	shalt  }
0x63: {  	_ =	shalt  }
0x64: {  	_ =	shalt  }
0x65: {  	_ =	shalt  }
0x66: {  	_ =	shalt  }
0x67: {  	_ =	shalt  }
0x68: {  	_ =	shalt  }
0x69: {  	_ =	shalt  }
0x6a: {  	_ =	shalt  }
0x6b: {  	_ =	shalt  }
0x6c: {  	_ =	shalt  }
0x6d: {  	_ =	shalt  }
0x6e: {  	_ =	shalt  }
0x6f: {  	_ =	shalt  }
0x70: {  	_ =	shalt  }
0x71: {  	_ =	shalt  }
0x72: {  	_ =	shalt  }
0x73: {  	_ =	shalt  }
0x74: {  	_ =	shalt  }
0x75: {  	_ =	shalt  }
0x76: {  	_ =	shalt  }
0x77: {  	_ =	shalt  }
0x78: {  	_ =	shalt  }
0x79: {  	_ =	shalt  }
0x7a: {  	_ =	shalt  }
0x7b: {  	_ =	shalt  }
0x7c: {  	_ =	shalt  }
0x7d: {  	_ =	shalt  }
0x7e: {  	_ =	shalt  }
0x7f: {  	_ =	shalt  }
0x80: {  	_ =	shalt  }
0x81: {  	_ =	shalt  }
0x82: {  	_ =	shalt  }
0x83: {  	_ =	shalt  }
0x84: {  	_ =	shalt  }
0x85: {  	_ =	shalt  }
0x86: {  	_ =	shalt  }
0x87: {  	_ =	shalt  }
.Lfunc_end0:
.L_simem_size_0:
called_computation_lowered:
.L_overlay_start_0:
0x88: {  	s2 =	sld [smem:$0x3FD9]  }
0x89: {  	s3 =	sld [smem:$0x3FFE];
	_ =	sdelay $0x1  }
0x8a: {  	s1 =	srdreg.scid  }
0x8b: {  	s0 =	sand.u32 $0x1, s1  }
0x8c: {  	s17 =	sshll.u32 s0, $0xA;
	s2 =	sadd.s32 s3, s2  }
0x8d: {  	s2 =	sadd.s32 s2, s17  }
0x8e: {  	[smem:$0x3FC1] =	sst s2  }
0x8f: {  	_ = 	snop  }
0x90: {  	s2 =	sld [smem:$0x3FC9]  }
0x91: {  	s18 =	sld [smem:$0x3FD0];
	(tm) =	ssettm $0x1  }
0x92: {  	s4 =	sld [smem:$0x3FFB];
	_ =	sdelay $0x3  }
0x93: {  	_ =	strace s4  }
0x94: {  	s4 =	sld [smem:$0x3FFC];
	_ =	sdelay $0x3  }
0x95: {  	_ =	strace s4  }
0x96: {  	s4 =	sld [smem:$0x3FFD];
	_ =	sdelay $0x3  }
0x97: {  	_ =	strace s4  }
0x98: {  	_ =	strace $0x8FFFFFFF  }
0x99: {  	s19 =	sld [smem:$0x3FDB];
	_ =	sdelay $0x1  }
0x9a: {  	s5 =	simm.s32 $_scs_section_size  }
0x9b: {  	s6 =	simm.s32 $_size__tile_overlayer_lowered;
	s7 =	simm.s32 $_tile_overlayer_lowered  }
0x9c: {  	s22 =	simm.s32 $0x1BFF;
	s21 =	sshll.u32 s7, $0x1;
	s4 =	sadd.s32 s5, s19  }
0x9d: {  	s8 =	simm.s32 $0x0;
	s20 =	sshll.u32 s6, $0x1;
	s6 =	sadd.s32 s21, s4  }
0x9e: {  	[timem:s8], [sflag:s22] =	dma.local [hbm:s6], s20  }
0x9f: {  	_ =	swait.ge [sflag:s22], s20  }
0xa0: {  	s5 =	ssub.s32 $0x0, s20;
	[sflag:s22] =	ssyncset.done $0x0  }
0xa1: {  	[sflag:s22] =	ssyncadd.s32 s5;
	_ =	sdelay $0x1  }
0xa2: {  	s23 =	simm.s32 $0x1B8B  }
0xa3: {  	_ =	swait.ge [sflag:s23], $0x1  }
0xa4: {  	[sflag:s23] =	ssyncset.done $0x0  }
0xa5: {  	s25 =	simm.s32 $0x1B8E;
	s24 =	sld [smem:$0x3FFE];
	[sflag:s23] =	ssyncadd.s32 $0xFFFFFFFF  }
0xa6: {  	s26 =	simm.s32 $execute0_lowered;
	[smem:$0x3FD2] =	sst s25  }
0xa7: {  	s6 =	sshll.u32 s26, $0x1;
	_ =	strace $0x80000046;
	[dreg:$0x1] =	wrdreg $0xFFFFFFFF  }
0xa8: {  	s28 =	simm.s32 $_size_execute0_lowered;
	s4 =	sadd.s32 s4, s6;
	[dreg:$0x0] =	wrdreg $0x0  }
0xa9: {  	s6 =	sshll.u32 s28, $0x1;
	[dreg:$0x2] =	wrdreg s4  }
0xaa: {  	[dreg:$0x3] =	wrdreg s6  }
0xab: {  	[dreg:$0x4] =	wrdreg $0xC0  }
0xac: {  	_ =	task [dreg:s8], $0x5FFFF  }
0xad: {  	[dreg:$0x1] =	wrdreg $0xFFFFFFFF  }
0xae: {  	[dreg:$0x0] =	wrdreg $0x60  }
0xaf: {  	[dreg:$0x2] =	wrdreg s2  }
0xb0: {  	[dreg:$0x3] =	wrdreg s24  }
0xb1: {  	[dreg:$0x4] =	wrdreg s18  }
0xb2: {  	[dreg:$0x5] =	wrdreg $0x9  }
0xb3: {  	_ =	task.clear_ibuf [dreg:s8], $0x6FFFF;
	_ =	strace $0x90000046  }
0xb4: {  	s29 =	simm.s32 $0x9;
	_ =	strace $0x80000048  }
0xb5: {  	_ =	swait.ge [sflag:s29], $0x1  }
0xb6: {  	[sflag:s29] =	ssyncadd.s32 $0xFFFFFFFF  }
0xb7: {  	_ =	strace $0x90000048  }
0xb8: {  	_ =	sfence  }
0xb9: {  	s30 =	sld [smem:$0x0];
	_ =	sdelay $0x2  }
0xba: {  	s31 =	sshll.u32 s1, $0xD;
	s1 =	sshrl.u32 s1, $0x2  }
0xbb: {  	s3 =	sand.u32 $0x4000, s31;
	s1 =	sadd.s32 s1, s30  }
0xbc: {  	s0 =	sor.u32 s3, s0;
	s1 =	sshll.u32 s1, $0x11  }
0xbd: {  	s0 =	sor.u32 s1, s0  }
0xbe: {  	s0 =	sadd.s32 $0x8F2B, s0  }
0xbf: {  	[sflag:s0] =	ssyncadd.remote.s32 $0x1  }
0xc0: {  	_ =	sfence.sel $0xFFFF  }
0xc1: {  	[dreg:$0x0] =	wrdreg $0xFFFFFFFF;
	(pc) =	sbr.abs _section_cstart, $3  }
0xc2: {  	[dreg:$0x1] =	wrdreg $0xFFFFFFFF  }
0xc3: {  	_ =	task.clear_ibuf [dreg:s8], $0x2FFFF;
	_ =	strace $0x9FFFFFFF  }
0xc4: {  	(tm) =	ssettm $0x7FFFFFFF  }
0xc5: {  	_ =	shalt  }
tec
execute0_lowered:
.L_overlay_start_1:
0x0: {  	(tag) =	ssettag $0x1  }
0x1: {  	s1 =	srdreg.scid;
	s0 =	stileid.u32  }
0x2: {  	s4 =	rddreg [dreg:$0x0];
	s1 =	sand.u32 $0x1, s1;
	s2 =	sshll.u32 s0, $0x1  }
0x3: {  	s5 =	rddreg [dreg:$0x1];
	s3 =	sshrl.u32 s0, $0x3;
	s6 =	sor.u32 s1, s2  }
0x4: {  	s2 =	rddreg [dreg:$0x2];
	s8 =	smul.u32 $0x180000, s3;
	s3 =	simm.s32 $0x0  }
0x5: {  	s16 =	sadd.s32 $0x3000, s5;
	[smem:$0x7FF] =	sst s3  }
0x6: {  	s20 =	simm.s32 $0x80;
	_ =	strace $0x80000047;
	[dreg:$0x4] =	wrdreg s16  }
0x7: {  	s21 =	simm.s32 $0x100;
	[dreg:$0x9] =	wrdreg s20  }
0x8: {  	s22 =	simm.s32 $0x180;
	[dreg:$0xa] =	wrdreg s21  }
0x9: {  	s23 =	simm.s32 $0xA00;
	[dreg:$0xb] =	wrdreg s22  }
0xa: {  	s24 =	simm.s32 $0x1200;
	[dreg:$0xc] =	wrdreg s23  }
0xb: {  	s25 =	simm.s32 $0x1A00;
	[dreg:$0xd] =	wrdreg s24  }
0xc: {  	s26 =	simm.s32 $0x2200;
	[dreg:$0xe] =	wrdreg s25  }
0xd: {  	s9 =	simm.s32 $0x5200;
	s0 =	simm.s32 $0x2A00;
	[dreg:$0xf] =	wrdreg s26  }
0xe: {  	s10 =	simm.s32 $0x5A00;
	s11 =	simm.s32 $0x6200;
	[dreg:$0x10] =	wrdreg s0  }
0xf: {  	s12 =	simm.s32 $0x6A00;
	s13 =	simm.s32 $0x7200;
	[dreg:$0x15] =	wrdreg s9  }
0x10: {  	s14 =	simm.s32 $0x7A00;
	s15 =	simm.s32 $0x8200;
	[dreg:$0x16] =	wrdreg s10  }
0x11: {  	s28 =	simm.s32 $0x15A00;
	s29 =	simm.s32 $0x16200;
	[dreg:$0x17] =	wrdreg s11  }
0x12: {  	s30 =	simm.s32 $0x16A00;
	s31 =	simm.s32 $0x17200;
	[dreg:$0x18] =	wrdreg s12  }
0x13: {  	s1 =	ssub.s32 $0x2, s1;
	s7 =	sand.u32 $0xF, s6;
	[dreg:$0x19] =	wrdreg s13  }
0x14: {  	s6 =	sshll.u32 s6, $0x4;
	s7 =	smul.u32 $0x18000, s7;
	[dreg:$0x1a] =	wrdreg s14  }
0x15: {  	s5 =	sadd.s32 s6, s5;
	s6 =	simm.s32 $0x3A00;
	[dreg:$0x1b] =	wrdreg s15  }
0x16: {  	s16 =	simm.s32 $0x8A00;
	s20 =	simm.s32 $0xA200;
	[dreg:$0x12] =	wrdreg s6  }
0x17: {  	s21 =	simm.s32 $0xAA00;
	s22 =	simm.s32 $0xB200;
	[dreg:$0x1c] =	wrdreg s16  }
0x18: {  	s23 =	simm.s32 $0xBA00;
	s24 =	simm.s32 $0xC200;
	[dreg:$0x1f] =	wrdreg s20  }
0x19: {  	s25 =	simm.s32 $0xCA00;
	s26 =	simm.s32 $0xD200;
	[smem:$0x7F8] =	sst s21  }
0x1a: {  	s9 =	simm.s32 $0x3;
	s10 =	simm.s32 $0x1;
	[smem:$0x7F9] =	sst s22  }
0x1b: {  	s14 =	simm.s32 $0xF200;
	s15 =	simm.s32 $0xFA00;
	[smem:$0x7FA] =	sst s23  }
0x1c: {  	s17 =	sadd.s32 $0x2E00, s5;
	s18 =	sadd.s32 $0x2C00, s5;
	[smem:$0x7FB] =	sst s24  }
0x1d: {  	s19 =	sadd.s32 $0x3200, s5;
	s5 =	simm.s32 $0x3200;
	[smem:$0x7FC] =	sst s25  }
0x1e: {  	[smem:$0x7FD] =	sst s26;
	s16 =	simm.s32 $0x10200;
	s20 =	simm.s32 $0x12200  }
0x1f: {  	s21 =	simm.s32 $0x12A00;
	s22 =	simm.s32 $0x13200;
	[dreg:$0x6] =	wrdreg s17  }
0x20: {  	s23 =	simm.s32 $0x13A00;
	s24 =	simm.s32 $0x14200;
	[dreg:$0x7] =	wrdreg s18  }
0x21: {  	s25 =	simm.s32 $0x14A00;
	s26 =	simm.s32 $0x15200;
	[dreg:$0x8] =	wrdreg s19  }
0x22: {  	s7 =	sadd.s32 s8, s7;
	[dreg:$0x11] =	wrdreg s5;
	s8 =	simm.s32 $0x4A00  }
0x23: {  	s17 =	simm.s32 $0x9200;
	s18 =	simm.s32 $0x9A00;
	[dreg:$0x14] =	wrdreg s8  }
0x24: {  	s19 =	sshrl.u32 s1, $0x1;
	s5 =	sadd.s32 $0x200, s2;
	[dreg:$0x1d] =	wrdreg s17  }
0x25: {  	s7 =	sshrl.u32 s7, $0x3;
	[dreg:$0x1e] =	wrdreg s18;
	s1 =	ssub.s32 s1, s19  }
0x26: {  	s8 =	simm.s32 $0x2;
	s17 =	simm.s32 $0x10A00;
	s18 =	simm.s32 $0x11200  }
0x27: {  	v2 =	vlaneseq.u32;
	s19 =	simm.s32 $0x11A00;
	s4 =	sadd.s32 s4, s7;
	s7 =	simm.s32 $0x4200  }
0x28: {  	vm0 =	vmmov $0xffff;
	v1 =	vshrl.u32 v2, $0x3;
	s6 =	smax.u32 s1, $0x1;
	s1 =	simm.s32 $0x17A00;
	[dreg:$0x5] =	wrdreg s4  }
0x29: {  	v0 =	vand.u32 $0x7, v2;
	v2 =	vor.u32 $0x8, v2;
	v1 =	vmul.u32 $0x8, v1;
	[dreg:$0x13] =	wrdreg s7;
	s4 =	sadd.s32 $0x100, s2;
	s7 =	simm.s32 $0x200  }
.LBB2_1:
0x2a: {  	s0 =	rddreg [dreg:$0x5]  }
0x2b: {  	s11 =	rddreg [dreg:$0x6]  }
0x2c: {  	s12 =	rddreg [dreg:$0x4]  }
0x2d: {  	[tilespmem:s7], [sflag:$0x1] =	stream.linear.gather [hbm4b:s0+s3], $0x18000, $0x38;
	[tilespmem:$0x18200] =	vst v63  }
0x2e: {  	s0 =	rddreg [dreg:$0x7]  }
0x2f: {  	[tilespmem:s3], [sflag:$0x2] =	stream.linear.gather [hbm4b:s11+s3], $0x80, $0x38;
	[tilespmem:$0x18200] =	vst v63  }
0x30: {  	s11 =	rddreg [dreg:$0x9]  }
0x31: {  	[tilespmem:s11], [sflag:$0x2] =	stream.linear.gather [hbm4b:s0+s3], $0x80, $0x38;
	[tilespmem:$0x18200] =	vst v63  }
0x32: {  	s13 =	rddreg [dreg:$0xa]  }
0x33: {  	[tilespmem:s13], [sflag:$0x2] =	stream.linear.gather [hbm4b:s12+s3], $0x80, $0x38;
	[tilespmem:$0x18200] =	vst v63  }
0x34: {  	_ =	swait.ge [sflag:s8], $0x80  }
0x35: {  	[sflag:s8] =	ssyncset.done $0x0  }
0x36: {  	[sflag:s8] =	ssyncadd.s32 $0xFFFFFF80  }
0x37: {  	_ =	swait.ge [sflag:s8], $0x80  }
0x38: {  	[sflag:s8] =	ssyncset.done $0x0  }
0x39: {  	[sflag:s8] =	ssyncadd.s32 $0xFFFFFF80  }
0x3a: {  	_ =	swait.ge [sflag:s8], $0x80  }
0x3b: {  	[sflag:s8] =	ssyncset.done $0x0  }
0x3c: {  	[sflag:s8] =	ssyncadd.s32 $0xFFFFFF80  }
0x3d: {  	v10 =	vld [tilespmem:$0x100]  }
0x3e: {  	v9 =	vld [tilespmem:$0x110]  }
0x3f: {  	v8 =	vld [tilespmem:$0x120]  }
0x40: {  	v11 =	vld [tilespmem:$0x0]  }
0x41: {  	v7 =	vld [tilespmem:$0x130]  }
0x42: {  	v12 =	vld [tilespmem:$0x80]  }
0x43: {  	v6 =	vld [tilespmem:$0x140]  }
0x44: {  	v5 =	vld [tilespmem:$0x150]  }
0x45: {  	v4 =	vld [tilespmem:$0x160];
	vm1 =	veq.s32 v11, $0x0;
	vm2 =	veq.s32 v11, $0x1  }
0x46: {  	v3 =	vld [tilespmem:$0x170];
	v13 =	vnsel vm1, $0x0, v10;
	v14 =	vnsel vm2, $0x0, v9;
	vm1 =	veq.s32 v11, $0x2  }
0x47: {  	v15 =	vld [tilespmem:$0x10];
	v12 =	vadd.s32 v12, v13;
	v35 =	vnsel vm1, $0x0, v8;
	vm1 =	veq.s32 v11, $0x3  }
0x48: {  	v12 =	vadd.s32 v14, v12;
	v36 =	vnsel vm1, $0x0, v7;
	vm1 =	veq.s32 v11, $0x4  }
0x49: {  	v12 =	vadd.s32 v35, v12;
	v37 =	vnsel vm1, $0x0, v6;
	vm1 =	veq.s32 v11, $0x5  }
0x4a: {  	v16 =	vld [tilespmem:$0x90];
	v12 =	vadd.s32 v36, v12;
	v38 =	vnsel vm1, $0x0, v5;
	vm1 =	veq.s32 v11, $0x6  }
0x4b: {  	v12 =	vadd.s32 v37, v12;
	v39 =	vnsel vm1, $0x0, v4;
	vm1 =	veq.s32 v11, $0x7  }
0x4c: {  	v40 =	vadd.s32 v38, v12;
	v41 =	vnsel vm1, $0x0, v3;
	vm1 =	veq.s32 v15, $0x0  }
0x4d: {  	v11 =	vadd.s32 v39, v40;
	v42 =	vnsel vm1, $0x0, v10;
	vm1 =	veq.s32 v15, $0x1  }
0x4e: {  	v11 =	vadd.s32 v41, v11;
	v43 =	vnsel vm1, $0x0, v9;
	vm1 =	veq.s32 v15, $0x2  }
0x4f: {  	v45 =	vld [tilespmem:$0x20];
	v13 =	vadd.s32 v16, v42;
	v44 =	vnsel vm1, $0x0, v8;
	vm1 =	veq.s32 v15, $0x3  }
0x50: {  	v12 =	vadd.s32 v43, v13;
	v46 =	vnsel vm1, $0x0, v7;
	vm1 =	veq.s32 v15, $0x4  }
0x51: {  	v12 =	vadd.s32 v44, v12;
	v47 =	vnsel vm1, $0x0, v6;
	vm1 =	veq.s32 v15, $0x5  }
0x52: {  	v17 =	vld [tilespmem:$0xA0];
	v12 =	vadd.s32 v46, v12;
	v48 =	vnsel vm1, $0x0, v5;
	vm1 =	veq.s32 v15, $0x6  }
0x53: {  	v12 =	vadd.s32 v47, v12;
	v49 =	vnsel vm1, $0x0, v4;
	vm1 =	veq.s32 v15, $0x7  }
0x54: {  	v12 =	vadd.s32 v48, v12;
	v50 =	vnsel vm1, $0x0, v3;
	vm1 =	veq.s32 v45, $0x0  }
0x55: {  	v12 =	vadd.s32 v49, v12;
	v51 =	vnsel vm1, $0x0, v10;
	vm1 =	veq.s32 v45, $0x1  }
0x56: {  	v12 =	vadd.s32 v50, v12;
	v52 =	vnsel vm1, $0x0, v9;
	vm1 =	veq.s32 v45, $0x2  }
0x57: {  	v54 =	vld [tilespmem:$0x30];
	v14 =	vadd.s32 v17, v51;
	v53 =	vnsel vm1, $0x0, v8;
	vm1 =	veq.s32 v45, $0x3  }
0x58: {  	v13 =	vadd.s32 v52, v14;
	v55 =	vnsel vm1, $0x0, v7;
	vm1 =	veq.s32 v45, $0x4  }
0x59: {  	v13 =	vadd.s32 v53, v13;
	v56 =	vnsel vm1, $0x0, v6;
	vm1 =	veq.s32 v45, $0x5  }
0x5a: {  	v18 =	vld [tilespmem:$0xB0];
	v13 =	vadd.s32 v55, v13;
	v57 =	vnsel vm1, $0x0, v5;
	vm1 =	veq.s32 v45, $0x6  }
0x5b: {  	v13 =	vadd.s32 v56, v13;
	v58 =	vnsel vm1, $0x0, v4;
	vm1 =	veq.s32 v45, $0x7  }
0x5c: {  	v13 =	vadd.s32 v57, v13;
	v59 =	vnsel vm1, $0x0, v3;
	vm1 =	veq.s32 v54, $0x0  }
0x5d: {  	v13 =	vadd.s32 v58, v13;
	v60 =	vnsel vm1, $0x0, v10;
	vm1 =	veq.s32 v54, $0x1  }
0x5e: {  	v13 =	vadd.s32 v59, v13;
	v61 =	vnsel vm1, $0x0, v9;
	vm1 =	veq.s32 v54, $0x2  }
0x5f: {  	v63 =	vld [tilespmem:$0x40];
	v15 =	vadd.s32 v18, v60;
	v62 =	vnsel vm1, $0x0, v8;
	vm1 =	veq.s32 v54, $0x3  }
0x60: {  	v14 =	vadd.s32 v61, v15;
	v23 =	vnsel vm1, $0x0, v7;
	vm1 =	veq.s32 v54, $0x4  }
0x61: {  	v14 =	vadd.s32 v62, v14;
	v24 =	vnsel vm1, $0x0, v6;
	vm1 =	veq.s32 v54, $0x5  }
0x62: {  	v19 =	vld [tilespmem:$0xC0];
	v14 =	vadd.s32 v23, v14;
	v25 =	vnsel vm1, $0x0, v5;
	vm1 =	veq.s32 v54, $0x6  }
0x63: {  	v14 =	vadd.s32 v24, v14;
	v26 =	vnsel vm1, $0x0, v4;
	vm1 =	veq.s32 v54, $0x7  }
0x64: {  	v14 =	vadd.s32 v25, v14;
	v27 =	vnsel vm1, $0x0, v3;
	vm1 =	veq.s32 v63, $0x0  }
0x65: {  	v14 =	vadd.s32 v26, v14;
	v28 =	vnsel vm1, $0x0, v10;
	vm1 =	veq.s32 v63, $0x1  }
0x66: {  	v14 =	vadd.s32 v27, v14;
	v29 =	vnsel vm1, $0x0, v9;
	vm1 =	veq.s32 v63, $0x2  }
0x67: {  	v31 =	vld [tilespmem:$0x50];
	v16 =	vadd.s32 v19, v28;
	v30 =	vnsel vm1, $0x0, v8;
	vm1 =	veq.s32 v63, $0x3  }
0x68: {  	v15 =	vadd.s32 v29, v16;
	v32 =	vnsel vm1, $0x0, v7;
	vm1 =	veq.s32 v63, $0x4  }
0x69: {  	v15 =	vadd.s32 v30, v15;
	v33 =	vnsel vm1, $0x0, v6;
	vm1 =	veq.s32 v63, $0x5  }
0x6a: {  	v20 =	vld [tilespmem:$0xD0];
	v15 =	vadd.s32 v32, v15;
	v34 =	vnsel vm1, $0x0, v5;
	vm1 =	veq.s32 v63, $0x6  }
0x6b: {  	v15 =	vadd.s32 v33, v15;
	v35 =	vnsel vm1, $0x0, v4;
	vm1 =	veq.s32 v63, $0x7  }
0x6c: {  	v15 =	vadd.s32 v34, v15;
	v36 =	vnsel vm1, $0x0, v3;
	vm1 =	veq.s32 v31, $0x0  }
0x6d: {  	v15 =	vadd.s32 v35, v15;
	v37 =	vnsel vm1, $0x0, v10;
	vm1 =	veq.s32 v31, $0x1  }
0x6e: {  	v15 =	vadd.s32 v36, v15;
	v38 =	vnsel vm1, $0x0, v9;
	vm1 =	veq.s32 v31, $0x2  }
0x6f: {  	v40 =	vld [tilespmem:$0x60];
	v17 =	vadd.s32 v20, v37;
	v39 =	vnsel vm1, $0x0, v8;
	vm1 =	veq.s32 v31, $0x3  }
0x70: {  	v16 =	vadd.s32 v38, v17;
	v41 =	vnsel vm1, $0x0, v7;
	vm1 =	veq.s32 v31, $0x4  }
0x71: {  	v16 =	vadd.s32 v39, v16;
	v42 =	vnsel vm1, $0x0, v6;
	vm1 =	veq.s32 v31, $0x5  }
0x72: {  	v21 =	vld [tilespmem:$0xE0];
	v16 =	vadd.s32 v41, v16;
	v43 =	vnsel vm1, $0x0, v5;
	vm1 =	veq.s32 v31, $0x6  }
0x73: {  	v16 =	vadd.s32 v42, v16;
	v44 =	vnsel vm1, $0x0, v4;
	vm1 =	veq.s32 v31, $0x7  }
0x74: {  	v16 =	vadd.s32 v43, v16;
	v45 =	vnsel vm1, $0x0, v3;
	vm1 =	veq.s32 v40, $0x0  }
0x75: {  	v16 =	vadd.s32 v44, v16;
	v46 =	vnsel vm1, $0x0, v10;
	vm1 =	veq.s32 v40, $0x1  }
0x76: {  	v16 =	vadd.s32 v45, v16;
	v47 =	vnsel vm1, $0x0, v9;
	vm1 =	veq.s32 v40, $0x2  }
0x77: {  	v49 =	vld [tilespmem:$0x70];
	v18 =	vadd.s32 v21, v46;
	v48 =	vnsel vm1, $0x0, v8;
	vm1 =	veq.s32 v40, $0x3  }
0x78: {  	v17 =	vadd.s32 v47, v18;
	v50 =	vnsel vm1, $0x0, v7;
	vm1 =	veq.s32 v40, $0x4  }
0x79: {  	v22 =	vld [tilespmem:$0xF0];
	v17 =	vadd.s32 v48, v17;
	v51 =	vnsel vm1, $0x0, v6;
	vm1 =	veq.s32 v40, $0x5  }
0x7a: {  	v17 =	vadd.s32 v50, v17;
	v52 =	vnsel vm1, $0x0, v5;
	vm1 =	veq.s32 v40, $0x6  }
0x7b: {  	v17 =	vadd.s32 v51, v17;
	v53 =	vnsel vm1, $0x0, v4;
	vm1 =	veq.s32 v40, $0x7  }
0x7c: {  	v17 =	vadd.s32 v52, v17;
	v54 =	vnsel vm1, $0x0, v3;
	vm1 =	veq.s32 v49, $0x0  }
0x7d: {  	v17 =	vadd.s32 v53, v17;
	v10 =	vnsel vm1, $0x0, v10;
	vm1 =	veq.s32 v49, $0x1  }
0x7e: {  	v10 =	vadd.s32 v22, v10;
	v9 =	vnsel vm1, $0x0, v9;
	vm1 =	veq.s32 v49, $0x2  }
0x7f: {  	[tilespmem:$0x180] =	vst v11;
	v9 =	vadd.s32 v9, v10;
	v8 =	vnsel vm1, $0x0, v8;
	vm1 =	veq.s32 v49, $0x3  }
0x80: {  	[tilespmem:$0x190] =	vst v12;
	v8 =	vadd.s32 v8, v9;
	v7 =	vnsel vm1, $0x0, v7;
	vm1 =	veq.s32 v49, $0x4  }
0x81: {  	[tilespmem:$0x1A0] =	vst v13;
	v7 =	vadd.s32 v7, v8;
	v6 =	vnsel vm1, $0x0, v6;
	vm1 =	veq.s32 v49, $0x5  }
0x82: {  	[tilespmem:$0x1B0] =	vst v14;
	v6 =	vadd.s32 v6, v7;
	v5 =	vnsel vm1, $0x0, v5;
	vm1 =	veq.s32 v49, $0x6  }
0x83: {  	[tilespmem:$0x1C0] =	vst v15;
	v5 =	vadd.s32 v5, v6;
	v4 =	vnsel vm1, $0x0, v4;
	vm1 =	veq.s32 v49, $0x7  }
0x84: {  	[tilespmem:$0x1D0] =	vst v16;
	v55 =	vadd.s32 v54, v17;
	v4 =	vadd.s32 v4, v5;
	v3 =	vnsel vm1, $0x0, v3  }
0x85: {  	s12 =	rddreg [dreg:$0x8];
	[tilespmem:$0x1E0] =	vst v55;
	v3 =	vadd.s32 v3, v4  }
0x86: {  	s13 =	rddreg [dreg:$0xb];
	[tilespmem:$0x1F0] =	vst v3  }
0x87: {  	[hbm4b:s12+s3] =	stream.linear.scatter [tilespmem:s13], [sflag:$0x3], $0x80, $0x38;
	[tilespmem:$0x18200] =	vst v63  }
0x88: {  	_ =	swait.ge [sflag:s9], $0x80  }
0x89: {  	[sflag:s9] =	ssyncset.done $0x0  }
0x8a: {  	[sflag:s9] =	ssyncadd.s32 $0xFFFFFF80  }
0x8b: {  	_ =	swait.ge [sflag:s10], $0x18000  }
0x8c: {  	[sflag:s10] =	ssyncset.done $0x0  }
0x8d: {  	[sflag:s10] =	ssyncadd.s32 $0xFFFE8000  }
0x8e: {  	v3 =	vld [tilespmem:$0x180];
	_ =	sdelay $0x4  }
0x8f: {  	v56 =	vshrl.u32 v3, $0x3  }
0x90: {  	v4 =	vmul.u32 $0x30, v56  }
0x91: {  	v3 =	vand.u32 $0x7, v3  }
0x92: {  	v3 =	vor.u32 v3, v4  }
0x93: {  	v4 =	vperm.xlane v3, v0;
	_ =	sdelay $0x1  }
0x94: {  	v4 =	vadd.s32 v1, v4;
	_ =	sdelay $0x3  }
0x95: {  	v3 =	vperm.xlane v3, v2  }
0x96: {  	[hbm4b:s2+s3] =	stream.indirect_vreg.scatter [tilespmem:s7], [sflag:$0x3], $0x80, v4, vm0, $0xb8;
	[tilespmem:$0x18200] =	vst v63  }
0x97: {  	s11 =	rddreg [dreg:$0xc];
	v3 =	vadd.s32 v1, v3  }
0x98: {  	[hbm4b:s4+s3] =	stream.indirect_vreg.scatter [tilespmem:s11], [sflag:$0x3], $0x80, v4, vm0, $0xb8;
	[tilespmem:$0x18200] =	vst v63  }
0x99: {  	s12 =	rddreg [dreg:$0xd]  }
0x9a: {  	[hbm4b:s5+s3] =	stream.indirect_vreg.scatter [tilespmem:s12], [sflag:$0x3], $0x80, v4, vm0, $0xb8;
	[tilespmem:$0x18200] =	vst v63  }
0x9b: {  	s13 =	rddreg [dreg:$0xe]  }
0x9c: {  	[hbm4b:s2+s3] =	stream.indirect_vreg.scatter [tilespmem:s13], [sflag:$0x3], $0x80, v3, vm0, $0xb8;
	[tilespmem:$0x18200] =	vst v63  }
0x9d: {  	s12 =	rddreg [dreg:$0xf]  }
0x9e: {  	[hbm4b:s4+s3] =	stream.indirect_vreg.scatter [tilespmem:s12], [sflag:$0x3], $0x80, v3, vm0, $0xb8;
	[tilespmem:$0x18200] =	vst v63  }
0x9f: {  	s13 =	rddreg [dreg:$0x10]  }
0xa0: {  	[hbm4b:s5+s3] =	stream.indirect_vreg.scatter [tilespmem:s13], [sflag:$0x3], $0x80, v3, vm0, $0xb8;
	[tilespmem:$0x18200] =	vst v63  }
0xa1: {  	v3 =	vld [tilespmem:$0x190];
	_ =	sdelay $0x4  }
0xa2: {  	v57 =	vshrl.u32 v3, $0x3  }
0xa3: {  	v4 =	vmul.u32 $0x30, v57  }
0xa4: {  	v3 =	vand.u32 $0x7, v3  }
0xa5: {  	v3 =	vor.u32 v3, v4  }
0xa6: {  	v4 =	vperm.xlane v3, v0;
	_ =	sdelay $0x1  }
0xa7: {  	v4 =	vadd.s32 v1, v4;
	_ =	sdelay $0x3  }
0xa8: {  	s12 =	rddreg [dreg:$0x11];
	v3 =	vperm.xlane v3, v2  }
0xa9: {  	[hbm4b:s2+s3] =	stream.indirect_vreg.scatter [tilespmem:s12], [sflag:$0x3], $0x80, v4, vm0, $0xb8;
	[tilespmem:$0x18200] =	vst v63  }
0xaa: {  	s13 =	rddreg [dreg:$0x12];
	v3 =	vadd.s32 v1, v3  }
0xab: {  	[hbm4b:s4+s3] =	stream.indirect_vreg.scatter [tilespmem:s13], [sflag:$0x3], $0x80, v4, vm0, $0xb8;
	[tilespmem:$0x18200] =	vst v63  }
0xac: {  	s12 =	rddreg [dreg:$0x13]  }
0xad: {  	[hbm4b:s5+s3] =	stream.indirect_vreg.scatter [tilespmem:s12], [sflag:$0x3], $0x80, v4, vm0, $0xb8;
	[tilespmem:$0x18200] =	vst v63  }
0xae: {  	s13 =	rddreg [dreg:$0x14]  }
0xaf: {  	[hbm4b:s2+s3] =	stream.indirect_vreg.scatter [tilespmem:s13], [sflag:$0x3], $0x80, v3, vm0, $0xb8;
	[tilespmem:$0x18200] =	vst v63  }
0xb0: {  	s12 =	rddreg [dreg:$0x15]  }
0xb1: {  	[hbm4b:s4+s3] =	stream.indirect_vreg.scatter [tilespmem:s12], [sflag:$0x3], $0x80, v3, vm0, $0xb8;
	[tilespmem:$0x18200] =	vst v63  }
0xb2: {  	s13 =	rddreg [dreg:$0x16]  }
0xb3: {  	[hbm4b:s5+s3] =	stream.indirect_vreg.scatter [tilespmem:s13], [sflag:$0x3], $0x80, v3, vm0, $0xb8;
	[tilespmem:$0x18200] =	vst v63  }
0xb4: {  	v3 =	vld [tilespmem:$0x1A0];
	_ =	sdelay $0x4  }
0xb5: {  	v58 =	vshrl.u32 v3, $0x3  }
0xb6: {  	v4 =	vmul.u32 $0x30, v58  }
0xb7: {  	v3 =	vand.u32 $0x7, v3  }
0xb8: {  	v3 =	vor.u32 v3, v4  }
0xb9: {  	v4 =	vperm.xlane v3, v0;
	_ =	sdelay $0x1  }
0xba: {  	v4 =	vadd.s32 v1, v4;
	_ =	sdelay $0x3  }
0xbb: {  	s12 =	rddreg [dreg:$0x17];
	v3 =	vperm.xlane v3, v2  }
0xbc: {  	[hbm4b:s2+s3] =	stream.indirect_vreg.scatter [tilespmem:s12], [sflag:$0x3], $0x80, v4, vm0, $0xb8;
	[tilespmem:$0x18200] =	vst v63  }
0xbd: {  	s13 =	rddreg [dreg:$0x18];
	v3 =	vadd.s32 v1, v3  }
0xbe: {  	[hbm4b:s4+s3] =	stream.indirect_vreg.scatter [tilespmem:s13], [sflag:$0x3], $0x80, v4, vm0, $0xb8;
	[tilespmem:$0x18200] =	vst v63  }
0xbf: {  	s12 =	rddreg [dreg:$0x19]  }
0xc0: {  	[hbm4b:s5+s3] =	stream.indirect_vreg.scatter [tilespmem:s12], [sflag:$0x3], $0x80, v4, vm0, $0xb8;
	[tilespmem:$0x18200] =	vst v63  }
0xc1: {  	s13 =	rddreg [dreg:$0x1a]  }
0xc2: {  	[hbm4b:s2+s3] =	stream.indirect_vreg.scatter [tilespmem:s13], [sflag:$0x3], $0x80, v3, vm0, $0xb8;
	[tilespmem:$0x18200] =	vst v63  }
0xc3: {  	s12 =	rddreg [dreg:$0x1b]  }
0xc4: {  	[hbm4b:s4+s3] =	stream.indirect_vreg.scatter [tilespmem:s12], [sflag:$0x3], $0x80, v3, vm0, $0xb8;
	[tilespmem:$0x18200] =	vst v63  }
0xc5: {  	s13 =	rddreg [dreg:$0x1c]  }
0xc6: {  	[hbm4b:s5+s3] =	stream.indirect_vreg.scatter [tilespmem:s13], [sflag:$0x3], $0x80, v3, vm0, $0xb8;
	[tilespmem:$0x18200] =	vst v63  }
0xc7: {  	v3 =	vld [tilespmem:$0x1B0];
	_ =	sdelay $0x4  }
0xc8: {  	v59 =	vshrl.u32 v3, $0x3  }
0xc9: {  	v4 =	vmul.u32 $0x30, v59  }
0xca: {  	v3 =	vand.u32 $0x7, v3  }
0xcb: {  	v3 =	vor.u32 v3, v4  }
0xcc: {  	v4 =	vperm.xlane v3, v0;
	_ =	sdelay $0x1  }
0xcd: {  	v4 =	vadd.s32 v1, v4;
	_ =	sdelay $0x2  }
0xce: {  	s12 =	rddreg [dreg:$0x1d]  }
0xcf: {  	s13 =	rddreg [dreg:$0x1e];
	v3 =	vperm.xlane v3, v2  }
0xd0: {  	[hbm4b:s2+s3] =	stream.indirect_vreg.scatter [tilespmem:s12], [sflag:$0x3], $0x80, v4, vm0, $0xb8;
	[tilespmem:$0x18200] =	vst v63  }
0xd1: {  	v3 =	vadd.s32 v1, v3;
	s12 =	rddreg [dreg:$0x1f]  }
0xd2: {  	[hbm4b:s4+s3] =	stream.indirect_vreg.scatter [tilespmem:s13], [sflag:$0x3], $0x80, v4, vm0, $0xb8;
	[tilespmem:$0x18200] =	vst v63  }
0xd3: {  	s13 =	sld [smem:$0x7F8]  }
0xd4: {  	[hbm4b:s5+s3] =	stream.indirect_vreg.scatter [tilespmem:s12], [sflag:$0x3], $0x80, v4, vm0, $0xb8;
	[tilespmem:$0x18200] =	vst v63  }
0xd5: {  	s12 =	sld [smem:$0x7F9]  }
0xd6: {  	[hbm4b:s2+s3] =	stream.indirect_vreg.scatter [tilespmem:s13], [sflag:$0x3], $0x80, v3, vm0, $0xb8;
	[tilespmem:$0x18200] =	vst v63  }
0xd7: {  	s13 =	sld [smem:$0x7FA]  }
0xd8: {  	[hbm4b:s4+s3] =	stream.indirect_vreg.scatter [tilespmem:s12], [sflag:$0x3], $0x80, v3, vm0, $0xb8;
	[tilespmem:$0x18200] =	vst v63  }
0xd9: {  	_ = 	snop  }
0xda: {  	[hbm4b:s5+s3] =	stream.indirect_vreg.scatter [tilespmem:s13], [sflag:$0x3], $0x80, v3, vm0, $0xb8;
	[tilespmem:$0x18200] =	vst v63  }
0xdb: {  	v3 =	vld [tilespmem:$0x1C0];
	_ =	sdelay $0x4  }
0xdc: {  	v60 =	vshrl.u32 v3, $0x3  }
0xdd: {  	v4 =	vmul.u32 $0x30, v60  }
0xde: {  	v3 =	vand.u32 $0x7, v3  }
0xdf: {  	v3 =	vor.u32 v3, v4  }
0xe0: {  	v4 =	vperm.xlane v3, v0;
	_ =	sdelay $0x1  }
0xe1: {  	v4 =	vadd.s32 v1, v4;
	_ =	sdelay $0x1  }
0xe2: {  	s11 =	sld [smem:$0x7FB];
	_ =	sdelay $0x1  }
0xe3: {  	s12 =	sld [smem:$0x7FC];
	v3 =	vperm.xlane v3, v2  }
0xe4: {  	[hbm4b:s2+s3] =	stream.indirect_vreg.scatter [tilespmem:s11], [sflag:$0x3], $0x80, v4, vm0, $0xb8;
	[tilespmem:$0x18200] =	vst v63  }
0xe5: {  	s13 =	sld [smem:$0x7FD];
	v3 =	vadd.s32 v1, v3  }
0xe6: {  	[hbm4b:s4+s3] =	stream.indirect_vreg.scatter [tilespmem:s12], [sflag:$0x3], $0x80, v4, vm0, $0xb8;
	[tilespmem:$0x18200] =	vst v63  }
0xe7: {  	_ = 	snop  }
0xe8: {  	[hbm4b:s5+s3] =	stream.indirect_vreg.scatter [tilespmem:s13], [sflag:$0x3], $0x80, v4, vm0, $0xb8;
	[tilespmem:$0x18200] =	vst v63  }
0xe9: {  	s11 =	simm.s32 $0xDA00  }
0xea: {  	[hbm4b:s2+s3] =	stream.indirect_vreg.scatter [tilespmem:s11], [sflag:$0x3], $0x80, v3, vm0, $0xb8;
	[tilespmem:$0x18200] =	vst v63  }
0xeb: {  	s12 =	simm.s32 $0xE200  }
0xec: {  	[hbm4b:s4+s3] =	stream.indirect_vreg.scatter [tilespmem:s12], [sflag:$0x3], $0x80, v3, vm0, $0xb8;
	[tilespmem:$0x18200] =	vst v63  }
0xed: {  	s13 =	simm.s32 $0xEA00  }
0xee: {  	[hbm4b:s5+s3] =	stream.indirect_vreg.scatter [tilespmem:s13], [sflag:$0x3], $0x80, v3, vm0, $0xb8;
	[tilespmem:$0x18200] =	vst v63  }
0xef: {  	v3 =	vld [tilespmem:$0x1D0];
	_ =	sdelay $0x4  }
0xf0: {  	v61 =	vshrl.u32 v3, $0x3  }
0xf1: {  	v4 =	vmul.u32 $0x30, v61  }
0xf2: {  	v3 =	vand.u32 $0x7, v3  }
0xf3: {  	v3 =	vor.u32 v3, v4  }
0xf4: {  	v4 =	vperm.xlane v3, v0;
	_ =	sdelay $0x1  }
0xf5: {  	v4 =	vadd.s32 v1, v4;
	_ =	sdelay $0x3  }
0xf6: {  	v3 =	vperm.xlane v3, v2  }
0xf7: {  	[hbm4b:s2+s3] =	stream.indirect_vreg.scatter [tilespmem:s14], [sflag:$0x3], $0x80, v4, vm0, $0xb8;
	[tilespmem:$0x18200] =	vst v63  }
0xf8: {  	v3 =	vadd.s32 v1, v3  }
0xf9: {  	[hbm4b:s4+s3] =	stream.indirect_vreg.scatter [tilespmem:s15], [sflag:$0x3], $0x80, v4, vm0, $0xb8;
	[tilespmem:$0x18200] =	vst v63  }
0xfa: {  	_ = 	snop  }
0xfb: {  	[hbm4b:s5+s3] =	stream.indirect_vreg.scatter [tilespmem:s16], [sflag:$0x3], $0x80, v4, vm0, $0xb8;
	[tilespmem:$0x18200] =	vst v63  }
0xfc: {  	_ = 	snop  }
0xfd: {  	[hbm4b:s2+s3] =	stream.indirect_vreg.scatter [tilespmem:s17], [sflag:$0x3], $0x80, v3, vm0, $0xb8;
	[tilespmem:$0x18200] =	vst v63  }
0xfe: {  	_ = 	snop  }
0xff: {  	[hbm4b:s4+s3] =	stream.indirect_vreg.scatter [tilespmem:s18], [sflag:$0x3], $0x80, v3, vm0, $0xb8;
	[tilespmem:$0x18200] =	vst v63  }
0x100: {  	_ = 	snop  }
0x101: {  	[hbm4b:s5+s3] =	stream.indirect_vreg.scatter [tilespmem:s19], [sflag:$0x3], $0x80, v3, vm0, $0xb8;
	[tilespmem:$0x18200] =	vst v63  }
0x102: {  	v3 =	vld [tilespmem:$0x1E0];
	_ =	sdelay $0x4  }
0x103: {  	v62 =	vshrl.u32 v3, $0x3  }
0x104: {  	v4 =	vmul.u32 $0x30, v62  }
0x105: {  	v3 =	vand.u32 $0x7, v3  }
0x106: {  	v3 =	vor.u32 v3, v4  }
0x107: {  	v4 =	vperm.xlane v3, v0;
	_ =	sdelay $0x1  }
0x108: {  	v4 =	vadd.s32 v1, v4;
	_ =	sdelay $0x3  }
0x109: {  	v3 =	vperm.xlane v3, v2  }
0x10a: {  	[hbm4b:s2+s3] =	stream.indirect_vreg.scatter [tilespmem:s20], [sflag:$0x3], $0x80, v4, vm0, $0xb8;
	[tilespmem:$0x18200] =	vst v63  }
0x10b: {  	v3 =	vadd.s32 v1, v3  }
0x10c: {  	[hbm4b:s4+s3] =	stream.indirect_vreg.scatter [tilespmem:s21], [sflag:$0x3], $0x80, v4, vm0, $0xb8;
	[tilespmem:$0x18200] =	vst v63  }
0x10d: {  	_ = 	snop  }
0x10e: {  	[hbm4b:s5+s3] =	stream.indirect_vreg.scatter [tilespmem:s22], [sflag:$0x3], $0x80, v4, vm0, $0xb8;
	[tilespmem:$0x18200] =	vst v63  }
0x10f: {  	_ = 	snop  }
0x110: {  	[hbm4b:s2+s3] =	stream.indirect_vreg.scatter [tilespmem:s23], [sflag:$0x3], $0x80, v3, vm0, $0xb8;
	[tilespmem:$0x18200] =	vst v63  }
0x111: {  	_ = 	snop  }
0x112: {  	[hbm4b:s4+s3] =	stream.indirect_vreg.scatter [tilespmem:s24], [sflag:$0x3], $0x80, v3, vm0, $0xb8;
	[tilespmem:$0x18200] =	vst v63  }
0x113: {  	_ = 	snop  }
0x114: {  	[hbm4b:s5+s3] =	stream.indirect_vreg.scatter [tilespmem:s25], [sflag:$0x3], $0x80, v3, vm0, $0xb8;
	[tilespmem:$0x18200] =	vst v63  }
0x115: {  	v3 =	vld [tilespmem:$0x1F0];
	_ =	sdelay $0x4  }
0x116: {  	v63 =	vshrl.u32 v3, $0x3  }
0x117: {  	v4 =	vmul.u32 $0x30, v63  }
0x118: {  	v3 =	vand.u32 $0x7, v3  }
0x119: {  	v3 =	vor.u32 v3, v4  }
0x11a: {  	v4 =	vperm.xlane v3, v0;
	_ =	sdelay $0x1  }
0x11b: {  	v4 =	vadd.s32 v1, v4;
	_ =	sdelay $0x3  }
0x11c: {  	v3 =	vperm.xlane v3, v2  }
0x11d: {  	[hbm4b:s2+s3] =	stream.indirect_vreg.scatter [tilespmem:s26], [sflag:$0x3], $0x80, v4, vm0, $0xb8;
	[tilespmem:$0x18200] =	vst v63  }
0x11e: {  	v3 =	vadd.s32 v1, v3  }
0x11f: {  	[hbm4b:s4+s3] =	stream.indirect_vreg.scatter [tilespmem:s28], [sflag:$0x3], $0x80, v4, vm0, $0xb8;
	[tilespmem:$0x18200] =	vst v63  }
0x120: {  	_ = 	snop  }
0x121: {  	[hbm4b:s5+s3] =	stream.indirect_vreg.scatter [tilespmem:s29], [sflag:$0x3], $0x80, v4, vm0, $0xb8;
	[tilespmem:$0x18200] =	vst v63  }
0x122: {  	_ = 	snop  }
0x123: {  	[hbm4b:s2+s3] =	stream.indirect_vreg.scatter [tilespmem:s30], [sflag:$0x3], $0x80, v3, vm0, $0xb8;
	[tilespmem:$0x18200] =	vst v63  }
0x124: {  	p0 =	sne.s32 s6, $0x1  }
0x125: {  	[hbm4b:s4+s3] =	stream.indirect_vreg.scatter [tilespmem:s31], [sflag:$0x3], $0x80, v3, vm0, $0xb8;
	[tilespmem:$0x18200] =	vst v63  }
.Ltmp0:
0x126: {  	_ = 	snop;
	(pc) =	sbr.rel @p0 .LBB2_1-.Ltmp0, $4  }
0x127: {  	[hbm4b:s5+s3] =	stream.indirect_vreg.scatter [tilespmem:s1], [sflag:$0x3], $0x80, v3, vm0, $0xb8;
	[tilespmem:$0x18200] =	vst v63  }
0x128: {  	_ =	swait.ge [sflag:s9], $0x18000  }
0x129: {  	[sflag:s9] =	ssyncset.done $0x0  }
0x12a: {  	s6 =	sadd.s32 $0xFFFFFFFF, s6;
	[sflag:s9] =	ssyncadd.s32 $0xFFFE8000  }
0x12b: {  	_ =	sfence.sel $0x180000  }
0x12c: {  	[bflag:$0x0] =	sbarrier.arrive $0xFFFF  }
0x12d: {  	_ =	strace $0x90000047  }
0x12e: {  	s0 =	stileid.u32;
	[bflag:$0x2] =	sbarrier.arrive $0xFFFF  }
0x12f: {  	p0 =	sne.s32 s0, $0x0;
	s0 =	rddreg [dreg:$0x3]  }
0x130: {  	s0 =	sadd.s32 @!p0 $0x100000, s0  }
0x131: {  	[sflag:s0] =	ssyncadd.tile.s32 @!p0 $0x1;
	_ =	shalt  }
.Lfunc_end2:
_tile_overlayer_lowered:
.L_overlay_start_2:
0x132: {  	(tag) =	ssettag $0x2  }
0x133: {  	s0 =	rddreg [dreg:$0x0];
	s2 =	stileid.u32  }
0x134: {  	s1 =	rddreg [dreg:$0x1];
	p0 =	sne.s32 s2, $0x0  }
0x135: {  	s3 =	rddreg [dreg:$0x2];
	[bflag:$0x3] =	sbarrier.arrive $0xFFFF;
	s2 =	simm.s32 @!p0 $0x1C03  }
0x136: {  	[timem:s3], [sflag:s2] =	dma.local @!p0 [hbm:s0], s1  }
0x137: {  	s0 =	simm.s32 @!p0 $0x3  }
0x138: {  	_ =	swait.ge @!p0 [sflag:s0], s1  }
0x139: {  	s1 =	ssub.s32 @!p0 $0x0, s1;
	[sflag:s0] =	ssyncset.done @!p0 $0x0  }
0x13a: {  	[sflag:s0] =	ssyncadd.s32 @!p0 s1  }
0x13b: {  	[bflag:$0x3] =	sbarrier.arrive $0xFFFF  }
0x13c: {  	_ =	shalt  }

// kernel: kernel.9.cloned.1.call-start
scs
__scs_entry_jumppad:
0x0: {  	(pc) =	sbr.rel $0x88, $3  }
0x1: {  	(tag) =	ssettag $0x0;
	lr =	simm.s32 $0x1  }
0x2: {  	[smem:$0x3F9A] =	sst lr;
	_ =	strace $0xD0000000  }
0x3: {  	_ = 	snop  }
0x4: {  	_ = 	snop  }
0x5: {  	_ = 	snop  }
0x6: {  	_ = 	snop  }
0x7: {  	_ = 	snop  }
__scs_overlays_trampoline_lowered:
0x8: {  	[smem:$0x3FA9] =	sst s0  }
0x9: {  	[smem:$0x3FAA] =	sst s1  }
0xa: {  	[smem:$0x3FAB] =	sst s2  }
0xb: {  	[smem:$0x3FAC] =	sst s3  }
0xc: {  	[smem:$0x3FAD] =	sst s4  }
0xd: {  	[smem:$0x3FAE] =	sst s5  }
0xe: {  	[smem:$0x3FAF] =	sst s6  }
0xf: {  	[smem:$0x3FB0] =	sst s7  }
0x10: {  	[smem:$0x3FB1] =	sst s8  }
0x11: {  	[smem:$0x3FB2] =	sst s9;
	s0 =	simm.s32 @!p0 $0x0  }
0x12: {  	s1 =	sld [smem:$0x3F98];
	s0 =	simm.s32 @p0 $0x1  }
0x13: {  	[smem:$0x3FB3] =	sst s0;
	s0 =	simm.s32 @!p1 $0x0  }
0x14: {  	s2 =	sld [smem:$0x3F97];
	s0 =	simm.s32 @p1 $0x1  }
0x15: {  	[smem:$0x3FB4] =	sst s0;
	s0 =	simm.s32 @!p2 $0x0  }
0x16: {  	s3 =	sld [smem:$0x3FDB];
	s0 =	simm.s32 @p2 $0x1  }
0x17: {  	s4 =	simm.s32 $0x1BF5;
	[smem:$0x3FB6] =	sst s0  }
0x18: {  	s0 =	sld [smem:$0x3F99];
	_ =	swait.ge [sflag:s4], $0x0  }
0x19: {  	s7 =	sld [smem:$0x3F9A]  }
0x1a: {  	s8 =	sadd.s32 $0xFFFFE003, lr  }
0x1b: {  	s9 =	sadd.s32 $0xFFFFFEF7, lr;
	s5 =	simm.s32 $0xFFFFFFFF;
	p2 =	slt.u32 s8, $0xFFFFF086  }
0x1c: {  	p1 =	slt.u32 s9, $0xF7A;
	s5 =	simm.s32 @!p2 $0x0  }
0x1d: {  	s5 =	simm.s32 @p1 $0x1;
	p0 =	seq.s32 s7, s2  }
0x1e: {  	s7 =	smul.u32 @!p0 $0xF7A, s2;
	p2 =	seq.s32 @!p0 s5, $0x0  }
0x1f: {  	s9 =	smul.u32 $0xF7A, s1;
	s8 =	simm.s32 @!p0 $0x1BF5;
	p2 =	por !p2, p0  }
0x20: {  	[sflag:s8] =	ssyncset.s32 @!p0 $0xFFFFF086;
	s6 =	sadd.s32 @!p0 s3, s7;
	s7 =	simm.s32 @!p0 $0x108  }
0x21: {  	s3 =	sadd.s32 s3, s9;
	s6 =	sadd.s32 @!p0 $0x88, s6;
	s7 =	simm.s32 @p2 $0x1082  }
0x22: {  	[simem:s7], [sflag:s8] =	dma.local @!p0 [hbm:s6], $0xF7A  }
0x23: {  	s9 =	sor.u32 $0xD0000000, s2;
	s6 =	simm.s32 $0x108;
	_ =	swait.ge @!p0 [sflag:s8], $0x0  }
0x24: {  	s3 =	sadd.s32 $0x88, s3;
	s6 =	simm.s32 @!p1 $0x1082;
	[sflag:s4] =	ssyncset.s32 $0xFFFFF086  }
0x25: {  	[simem:s6], [sflag:s4] =	dma.local [hbm:s3], $0xF7A  }
0x26: {  	[smem:$0x3F9A] =	sst s1;
	(tag) =	ssettag s2;
	_ =	strace s9  }
0x27: {  	s1 =	sld [smem:$0x3FAA]  }
0x28: {  	s2 =	sld [smem:$0x3FAB]  }
0x29: {  	s4 =	sld [smem:$0x3FAD]  }
0x2a: {  	p0 =	seq.s32 s5, $0x0;
	s5 =	sld [smem:$0x3FAE]  }
0x2b: {  	s6 =	sld [smem:$0x3FAF]  }
0x2c: {  	s7 =	sld [smem:$0x3FB0]  }
0x2d: {  	s3 =	simm.s32 $0x108;
	s8 =	sld [smem:$0x3FB1]  }
0x2e: {  	s3 =	simm.s32 @!p0 $0x1082;
	s9 =	sld [smem:$0x3FB2]  }
0x2f: {  	lr =	sadd.s32 s0, s3;
	s0 =	sld [smem:$0x3FA9]  }
0x30: {  	s3 =	sld [smem:$0x3FAC]  }
0x31: {  	[smem:$0x3FB5] =	sst s10  }
0x32: {  	s10 =	sld [smem:$0x3FB3];
	_ =	sdelay $0x3  }
0x33: {  	p0 =	seq.s32 s10, $0x1;
	s10 =	sld [smem:$0x3FB5];
	_ =	sdelay $0x3  }
0x34: {  	[smem:$0x3FB5] =	sst s10  }
0x35: {  	s10 =	sld [smem:$0x3FB4];
	_ =	sdelay $0x3  }
0x36: {  	p1 =	seq.s32 s10, $0x1;
	s10 =	sld [smem:$0x3FB5];
	_ =	sdelay $0x3  }
0x37: {  	[smem:$0x3FB5] =	sst s10  }
0x38: {  	s10 =	sld [smem:$0x3FB6]  }
0x39: {  	_ = 	snop;
	(pc) =	sbr.ind lr, $3  }
0x3a: {  	_ = 	snop  }
0x3b: {  	_ = 	snop  }
0x3c: {  	p2 =	seq.s32 s10, $0x1;
	s10 =	sld [smem:$0x3FB5]  }
0x3d: {  	_ =	shalt  }
0x3e: {  	_ =	shalt  }
0x3f: {  	_ =	shalt  }
0x40: {  	_ =	shalt  }
0x41: {  	_ =	shalt  }
0x42: {  	_ =	shalt  }
0x43: {  	_ =	shalt  }
0x44: {  	_ =	shalt  }
0x45: {  	_ =	shalt  }
0x46: {  	_ =	shalt  }
0x47: {  	_ =	shalt  }
0x48: {  	_ =	shalt  }
0x49: {  	_ =	shalt  }
0x4a: {  	_ =	shalt  }
0x4b: {  	_ =	shalt  }
0x4c: {  	_ =	shalt  }
0x4d: {  	_ =	shalt  }
0x4e: {  	_ =	shalt  }
0x4f: {  	_ =	shalt  }
0x50: {  	_ =	shalt  }
0x51: {  	_ =	shalt  }
0x52: {  	_ =	shalt  }
0x53: {  	_ =	shalt  }
0x54: {  	_ =	shalt  }
0x55: {  	_ =	shalt  }
0x56: {  	_ =	shalt  }
0x57: {  	_ =	shalt  }
0x58: {  	_ =	shalt  }
0x59: {  	_ =	shalt  }
0x5a: {  	_ =	shalt  }
0x5b: {  	_ =	shalt  }
0x5c: {  	_ =	shalt  }
0x5d: {  	_ =	shalt  }
0x5e: {  	_ =	shalt  }
0x5f: {  	_ =	shalt  }
0x60: {  	_ =	shalt  }
0x61: {  	_ =	shalt  }
0x62: {  	_ =	shalt  }
0x63: {  	_ =	shalt  }
0x64: {  	_ =	shalt  }
0x65: {  	_ =	shalt  }
0x66: {  	_ =	shalt  }
0x67: {  	_ =	shalt  }
0x68: {  	_ =	shalt  }
0x69: {  	_ =	shalt  }
0x6a: {  	_ =	shalt  }
0x6b: {  	_ =	shalt  }
0x6c: {  	_ =	shalt  }
0x6d: {  	_ =	shalt  }
0x6e: {  	_ =	shalt  }
0x6f: {  	_ =	shalt  }
0x70: {  	_ =	shalt  }
0x71: {  	_ =	shalt  }
0x72: {  	_ =	shalt  }
0x73: {  	_ =	shalt  }
0x74: {  	_ =	shalt  }
0x75: {  	_ =	shalt  }
0x76: {  	_ =	shalt  }
0x77: {  	_ =	shalt  }
0x78: {  	_ =	shalt  }
0x79: {  	_ =	shalt  }
0x7a: {  	_ =	shalt  }
0x7b: {  	_ =	shalt  }
0x7c: {  	_ =	shalt  }
0x7d: {  	_ =	shalt  }
0x7e: {  	_ =	shalt  }
0x7f: {  	_ =	shalt  }
0x80: {  	_ =	shalt  }
0x81: {  	_ =	shalt  }
0x82: {  	_ =	shalt  }
0x83: {  	_ =	shalt  }
0x84: {  	_ =	shalt  }
0x85: {  	_ =	shalt  }
0x86: {  	_ =	shalt  }
0x87: {  	_ =	shalt  }
.Lfunc_end0:
.L_simem_size_0:
called_computation.1_lowered:
.L_overlay_start_0:
0x88: {  	s2 =	sld [smem:$0x3FD9]  }
0x89: {  	s3 =	sld [smem:$0x3FFE];
	_ =	sdelay $0x1  }
0x8a: {  	s1 =	srdreg.scid  }
0x8b: {  	s0 =	sand.u32 $0x1, s1  }
0x8c: {  	s17 =	sshll.u32 s0, $0xA;
	s2 =	sadd.s32 s3, s2  }
0x8d: {  	s2 =	sadd.s32 s2, s17  }
0x8e: {  	[smem:$0x3FC1] =	sst s2  }
0x8f: {  	_ = 	snop  }
0x90: {  	s2 =	sld [smem:$0x3FD0];
	(tm) =	ssettm $0x1  }
0x91: {  	s18 =	sld [smem:$0x3FFB];
	_ =	sdelay $0x3  }
0x92: {  	_ =	strace s18  }
0x93: {  	s3 =	sld [smem:$0x3FFC];
	_ =	sdelay $0x3  }
0x94: {  	_ =	strace s3  }
0x95: {  	s3 =	sld [smem:$0x3FFD];
	_ =	sdelay $0x3  }
0x96: {  	_ =	strace s3  }
0x97: {  	_ =	strace $0x8FFFFFFF  }
0x98: {  	s19 =	sld [smem:$0x3FDB];
	_ =	sdelay $0x1  }
0x99: {  	s4 =	simm.s32 $_scs_section_size  }
0x9a: {  	s5 =	simm.s32 $_size__tile_overlayer_lowered;
	s6 =	simm.s32 $_tile_overlayer_lowered  }
0x9b: {  	s22 =	simm.s32 $0x1BFF;
	s21 =	sshll.u32 s6, $0x1;
	s3 =	sadd.s32 s4, s19  }
0x9c: {  	s7 =	simm.s32 $0x0;
	s20 =	sshll.u32 s5, $0x1;
	s5 =	sadd.s32 s21, s3  }
0x9d: {  	[timem:s7], [sflag:s22] =	dma.local [hbm:s5], s20  }
0x9e: {  	_ =	swait.ge [sflag:s22], s20  }
0x9f: {  	s4 =	ssub.s32 $0x0, s20;
	[sflag:s22] =	ssyncset.done $0x0  }
0xa0: {  	[sflag:s22] =	ssyncadd.s32 s4;
	_ =	sdelay $0x1  }
0xa1: {  	s23 =	simm.s32 $0x1B8B  }
0xa2: {  	_ =	swait.ge [sflag:s23], $0x1  }
0xa3: {  	[sflag:s23] =	ssyncset.done $0x0  }
0xa4: {  	s25 =	simm.s32 $0x1B8E;
	s24 =	sld [smem:$0x3FFE];
	[sflag:s23] =	ssyncadd.s32 $0xFFFFFFFF  }
0xa5: {  	s26 =	simm.s32 $execute0_lowered;
	[smem:$0x3FD2] =	sst s25  }
0xa6: {  	s5 =	sshll.u32 s26, $0x1;
	_ =	strace $0x80000049;
	[dreg:$0x1] =	wrdreg $0xFFFFFFFF  }
0xa7: {  	s28 =	simm.s32 $_size_execute0_lowered;
	s3 =	sadd.s32 s3, s5;
	[dreg:$0x0] =	wrdreg $0x0  }
0xa8: {  	s5 =	sshll.u32 s28, $0x1;
	[dreg:$0x2] =	wrdreg s3  }
0xa9: {  	[dreg:$0x3] =	wrdreg s5  }
0xaa: {  	[dreg:$0x4] =	wrdreg $0xC0  }
0xab: {  	_ =	task [dreg:s7], $0x5FFFF  }
0xac: {  	[dreg:$0x1] =	wrdreg $0xFFFFFFFF  }
0xad: {  	[dreg:$0x0] =	wrdreg $0x60  }
0xae: {  	[dreg:$0x2] =	wrdreg s24  }
0xaf: {  	[dreg:$0x3] =	wrdreg s2  }
0xb0: {  	[dreg:$0x4] =	wrdreg $0x9  }
0xb1: {  	_ =	task.clear_ibuf [dreg:s7], $0x5FFFF;
	_ =	strace $0x90000049  }
0xb2: {  	s29 =	simm.s32 $0x9;
	_ =	strace $0x8000004B  }
0xb3: {  	_ =	swait.ge [sflag:s29], $0x1  }
0xb4: {  	[sflag:s29] =	ssyncadd.s32 $0xFFFFFFFF  }
0xb5: {  	_ =	strace $0x9000004B  }
0xb6: {  	_ =	sfence  }
0xb7: {  	s30 =	sld [smem:$0x0];
	_ =	sdelay $0x2  }
0xb8: {  	s31 =	sshll.u32 s1, $0xD;
	s1 =	sshrl.u32 s1, $0x2  }
0xb9: {  	s3 =	sand.u32 $0x4000, s31;
	s1 =	sadd.s32 s1, s30  }
0xba: {  	s0 =	sor.u32 s3, s0;
	s1 =	sshll.u32 s1, $0x11  }
0xbb: {  	s0 =	sor.u32 s1, s0  }
0xbc: {  	s0 =	sadd.s32 $0x8F2B, s0  }
0xbd: {  	[sflag:s0] =	ssyncadd.remote.s32 $0x1  }
0xbe: {  	_ =	sfence.sel $0xFFFF  }
0xbf: {  	[dreg:$0x0] =	wrdreg $0xFFFFFFFF;
	(pc) =	sbr.abs _section_cstart, $3  }
0xc0: {  	[dreg:$0x1] =	wrdreg $0xFFFFFFFF  }
0xc1: {  	_ =	task.clear_ibuf [dreg:s7], $0x2FFFF;
	_ =	strace $0x9FFFFFFF  }
0xc2: {  	(tm) =	ssettm $0x7FFFFFFF  }
0xc3: {  	_ =	shalt  }
tec
execute0_lowered:
.L_overlay_start_1:
0x0: {  	(tag) =	ssettag $0x1  }
0x1: {  	s1 =	srdreg.scid;
	s0 =	stileid.u32  }
0x2: {  	s7 =	rddreg [dreg:$0x1];
	s4 =	sand.u32 $0x1, s1;
	s2 =	sshrl.u32 s0, $0x3  }
0x3: {  	s1 =	rddreg [dreg:$0x0];
	s6 =	smul.u32 $0x180000, s2;
	s2 =	simm.s32 $0x0  }
0x4: {  	s24 =	simm.s32 $0x880;
	[smem:$0x7FF] =	sst s2  }
0x5: {  	s25 =	simm.s32 $0x1080;
	_ =	strace $0x8000004A;
	[dreg:$0x5] =	wrdreg s24  }
0x6: {  	s26 =	simm.s32 $0x1880;
	[dreg:$0x6] =	wrdreg s25  }
0x7: {  	s22 =	sshll.u32 s0, $0x1;
	s0 =	simm.s32 $0x2080;
	[dreg:$0x7] =	wrdreg s26  }
0x8: {  	s8 =	simm.s32 $0x4080;
	[dreg:$0x8] =	wrdreg s0  }
0x9: {  	s9 =	simm.s32 $0x4880;
	[dreg:$0xc] =	wrdreg s8  }
0xa: {  	s10 =	simm.s32 $0x5080;
	[dreg:$0xd] =	wrdreg s9  }
0xb: {  	s11 =	simm.s32 $0x5880;
	[dreg:$0xe] =	wrdreg s10  }
0xc: {  	s12 =	simm.s32 $0x6080;
	[dreg:$0xf] =	wrdreg s11  }
0xd: {  	s13 =	simm.s32 $0x6880;
	s14 =	simm.s32 $0x7080;
	[dreg:$0x10] =	wrdreg s12  }
0xe: {  	s15 =	simm.s32 $0x7880;
	s16 =	simm.s32 $0x8080;
	[dreg:$0x11] =	wrdreg s13  }
0xf: {  	s17 =	simm.s32 $0x8880;
	s18 =	simm.s32 $0x9080;
	[dreg:$0x12] =	wrdreg s14  }
0x10: {  	s20 =	simm.s32 $0x9880;
	s21 =	simm.s32 $0xA080;
	[dreg:$0x13] =	wrdreg s15  }
0x11: {  	s28 =	simm.s32 $0x16080;
	s29 =	simm.s32 $0x16880;
	[dreg:$0x14] =	wrdreg s16  }
0x12: {  	s30 =	simm.s32 $0x17080;
	s31 =	simm.s32 $0x17880;
	[dreg:$0x15] =	wrdreg s17  }
0x13: {  	s3 =	sor.u32 s4, s22;
	s4 =	ssub.s32 $0x2, s4;
	[dreg:$0x16] =	wrdreg s18  }
0x14: {  	s22 =	simm.s32 $0xA880;
	s5 =	sand.u32 $0xF, s3;
	[dreg:$0x17] =	wrdreg s20  }
0x15: {  	s3 =	sshll.u32 s3, $0x4;
	s19 =	sshrl.u32 s4, $0x1;
	[dreg:$0x18] =	wrdreg s21  }
0x16: {  	s5 =	smul.u32 $0x18000, s5;
	s3 =	sadd.s32 s3, s1;
	[dreg:$0x19] =	wrdreg s22  }
0x17: {  	s24 =	simm.s32 $0xB880;
	s25 =	simm.s32 $0xC080;
	s8 =	simm.s32 $0x80  }
0x18: {  	s26 =	simm.s32 $0xC880;
	s10 =	simm.s32 $0xD880;
	s11 =	simm.s32 $0xE080  }
0x19: {  	s12 =	simm.s32 $0xE880;
	s13 =	simm.s32 $0xF080;
	s14 =	simm.s32 $0xF880  }
0x1a: {  	s15 =	simm.s32 $0x10080;
	s16 =	simm.s32 $0x10880;
	s17 =	simm.s32 $0x11080  }
0x1b: {  	s18 =	simm.s32 $0x11880;
	s20 =	simm.s32 $0x12880;
	[dreg:$0x1b] =	wrdreg s24  }
0x1c: {  	s21 =	simm.s32 $0x13080;
	s22 =	simm.s32 $0x13880;
	[dreg:$0x1c] =	wrdreg s25  }
0x1d: {  	s3 =	sadd.s32 $0x3200, s3;
	[dreg:$0x1d] =	wrdreg s26;
	s24 =	simm.s32 $0x14880  }
0x1e: {  	s25 =	simm.s32 $0x15080;
	s26 =	simm.s32 $0x15880;
	s5 =	sadd.s32 s6, s5  }
0x1f: {  	[dreg:$0x3] =	wrdreg s3;
	s6 =	simm.s32 $0x3080;
	s5 =	sshrl.u32 s5, $0x3  }
0x20: {  	s3 =	sadd.s32 $0x3400, s1;
	[dreg:$0xa] =	wrdreg s6;
	s23 =	sadd.s32 s7, s5  }
0x21: {  	s6 =	ssub.s32 s4, s19;
	s5 =	simm.s32 $0x2880;
	[dreg:$0x4] =	wrdreg s23  }
0x22: {  	s4 =	sadd.s32 $0x3500, s1;
	s7 =	simm.s32 $0x3880;
	[dreg:$0x9] =	wrdreg s5  }
0x23: {  	v2 =	vlaneseq.u32;
	s19 =	simm.s32 $0x12080;
	s6 =	smax.u32 s6, $0x1;
	[dreg:$0xb] =	wrdreg s7  }
0x24: {  	vm0 =	vmmov $0xffff;
	v1 =	vshrl.u32 v2, $0x3;
	s5 =	sadd.s32 $0x3600, s1;
	s23 =	simm.s32 $0xB080;
	s7 =	simm.s32 $0x2  }
0x25: {  	v0 =	vand.u32 $0x7, v2;
	v2 =	vor.u32 $0x8, v2;
	v1 =	vmul.u32 $0x8, v1;
	s1 =	simm.s32 $0x1;
	[dreg:$0x1a] =	wrdreg s23;
	s23 =	simm.s32 $0x14080  }
.LBB2_1:
0x26: {  	s0 =	rddreg [dreg:$0x3]  }
0x27: {  	[tilespmem:s2], [sflag:$0x2] =	stream.linear.gather [hbm4b:s0+s2], $0x80, $0x38;
	[tilespmem:$0x18080] =	vst v63  }
0x28: {  	_ =	swait.ge [sflag:s7], $0x80  }
0x29: {  	[sflag:s7] =	ssyncset.done $0x0  }
0x2a: {  	[sflag:s7] =	ssyncadd.s32 $0xFFFFFF80  }
0x2b: {  	v3 =	vld [tilespmem:$0x0];
	_ =	sdelay $0x4  }
0x2c: {  	v4 =	vshrl.u32 v3, $0x3  }
0x2d: {  	v4 =	vmul.u32 $0x30, v4  }
0x2e: {  	v3 =	vand.u32 $0x7, v3  }
0x2f: {  	v3 =	vor.u32 v3, v4  }
0x30: {  	v4 =	vperm.xlane v3, v0;
	_ =	sdelay $0x1  }
0x31: {  	v4 =	vadd.s32 v1, v4;
	_ =	sdelay $0x3  }
0x32: {  	v3 =	vperm.xlane v3, v2  }
0x33: {  	[tilespmem:s8], [sflag:$0x1] =	stream.indirect_vreg.gather [hbm4b:s3+s2], $0x80, v4, vm0, $0xb8;
	[tilespmem:$0x18080] =	vst v63  }
0x34: {  	s0 =	rddreg [dreg:$0x5];
	v3 =	vadd.s32 v1, v3  }
0x35: {  	[tilespmem:s0], [sflag:$0x1] =	stream.indirect_vreg.gather [hbm4b:s4+s2], $0x80, v4, vm0, $0xb8;
	[tilespmem:$0x18080] =	vst v63  }
0x36: {  	s9 =	rddreg [dreg:$0x6]  }
0x37: {  	[tilespmem:s9], [sflag:$0x1] =	stream.indirect_vreg.gather [hbm4b:s5+s2], $0x80, v4, vm0, $0xb8;
	[tilespmem:$0x18080] =	vst v63  }
0x38: {  	s0 =	rddreg [dreg:$0x7]  }
0x39: {  	[tilespmem:s0], [sflag:$0x1] =	stream.indirect_vreg.gather [hbm4b:s3+s2], $0x80, v3, vm0, $0xb8;
	[tilespmem:$0x18080] =	vst v63  }
0x3a: {  	s9 =	rddreg [dreg:$0x8]  }
0x3b: {  	[tilespmem:s9], [sflag:$0x1] =	stream.indirect_vreg.gather [hbm4b:s4+s2], $0x80, v3, vm0, $0xb8;
	[tilespmem:$0x18080] =	vst v63  }
0x3c: {  	s0 =	rddreg [dreg:$0x9]  }
0x3d: {  	[tilespmem:s0], [sflag:$0x1] =	stream.indirect_vreg.gather [hbm4b:s5+s2], $0x80, v3, vm0, $0xb8;
	[tilespmem:$0x18080] =	vst v63  }
0x3e: {  	v3 =	vld [tilespmem:$0x10];
	_ =	sdelay $0x4  }
0x3f: {  	v57 =	vshrl.u32 v3, $0x3  }
0x40: {  	v4 =	vmul.u32 $0x30, v57  }
0x41: {  	v3 =	vand.u32 $0x7, v3  }
0x42: {  	v3 =	vor.u32 v3, v4  }
0x43: {  	v4 =	vperm.xlane v3, v0;
	_ =	sdelay $0x1  }
0x44: {  	v4 =	vadd.s32 v1, v4;
	_ =	sdelay $0x3  }
0x45: {  	s0 =	rddreg [dreg:$0xa];
	v3 =	vperm.xlane v3, v2  }
0x46: {  	[tilespmem:s0], [sflag:$0x1] =	stream.indirect_vreg.gather [hbm4b:s3+s2], $0x80, v4, vm0, $0xb8;
	[tilespmem:$0x18080] =	vst v63  }
0x47: {  	s9 =	rddreg [dreg:$0xb];
	v3 =	vadd.s32 v1, v3  }
0x48: {  	[tilespmem:s9], [sflag:$0x1] =	stream.indirect_vreg.gather [hbm4b:s4+s2], $0x80, v4, vm0, $0xb8;
	[tilespmem:$0x18080] =	vst v63  }
0x49: {  	s0 =	rddreg [dreg:$0xc]  }
0x4a: {  	[tilespmem:s0], [sflag:$0x1] =	stream.indirect_vreg.gather [hbm4b:s5+s2], $0x80, v4, vm0, $0xb8;
	[tilespmem:$0x18080] =	vst v63  }
0x4b: {  	s9 =	rddreg [dreg:$0xd]  }
0x4c: {  	[tilespmem:s9], [sflag:$0x1] =	stream.indirect_vreg.gather [hbm4b:s3+s2], $0x80, v3, vm0, $0xb8;
	[tilespmem:$0x18080] =	vst v63  }
0x4d: {  	s0 =	rddreg [dreg:$0xe]  }
0x4e: {  	[tilespmem:s0], [sflag:$0x1] =	stream.indirect_vreg.gather [hbm4b:s4+s2], $0x80, v3, vm0, $0xb8;
	[tilespmem:$0x18080] =	vst v63  }
0x4f: {  	s9 =	rddreg [dreg:$0xf]  }
0x50: {  	[tilespmem:s9], [sflag:$0x1] =	stream.indirect_vreg.gather [hbm4b:s5+s2], $0x80, v3, vm0, $0xb8;
	[tilespmem:$0x18080] =	vst v63  }
0x51: {  	v3 =	vld [tilespmem:$0x20];
	_ =	sdelay $0x4  }
0x52: {  	v58 =	vshrl.u32 v3, $0x3  }
0x53: {  	v4 =	vmul.u32 $0x30, v58  }
0x54: {  	v3 =	vand.u32 $0x7, v3  }
0x55: {  	v3 =	vor.u32 v3, v4  }
0x56: {  	v4 =	vperm.xlane v3, v0;
	_ =	sdelay $0x1  }
0x57: {  	v4 =	vadd.s32 v1, v4;
	_ =	sdelay $0x3  }
0x58: {  	s0 =	rddreg [dreg:$0x10];
	v3 =	vperm.xlane v3, v2  }
0x59: {  	[tilespmem:s0], [sflag:$0x1] =	stream.indirect_vreg.gather [hbm4b:s3+s2], $0x80, v4, vm0, $0xb8;
	[tilespmem:$0x18080] =	vst v63  }
0x5a: {  	s9 =	rddreg [dreg:$0x11];
	v3 =	vadd.s32 v1, v3  }
0x5b: {  	[tilespmem:s9], [sflag:$0x1] =	stream.indirect_vreg.gather [hbm4b:s4+s2], $0x80, v4, vm0, $0xb8;
	[tilespmem:$0x18080] =	vst v63  }
0x5c: {  	s0 =	rddreg [dreg:$0x12]  }
0x5d: {  	[tilespmem:s0], [sflag:$0x1] =	stream.indirect_vreg.gather [hbm4b:s5+s2], $0x80, v4, vm0, $0xb8;
	[tilespmem:$0x18080] =	vst v63  }
0x5e: {  	s9 =	rddreg [dreg:$0x13]  }
0x5f: {  	[tilespmem:s9], [sflag:$0x1] =	stream.indirect_vreg.gather [hbm4b:s3+s2], $0x80, v3, vm0, $0xb8;
	[tilespmem:$0x18080] =	vst v63  }
0x60: {  	s0 =	rddreg [dreg:$0x14]  }
0x61: {  	[tilespmem:s0], [sflag:$0x1] =	stream.indirect_vreg.gather [hbm4b:s4+s2], $0x80, v3, vm0, $0xb8;
	[tilespmem:$0x18080] =	vst v63  }
0x62: {  	s9 =	rddreg [dreg:$0x15]  }
0x63: {  	[tilespmem:s9], [sflag:$0x1] =	stream.indirect_vreg.gather [hbm4b:s5+s2], $0x80, v3, vm0, $0xb8;
	[tilespmem:$0x18080] =	vst v63  }
0x64: {  	v3 =	vld [tilespmem:$0x30];
	_ =	sdelay $0x4  }
0x65: {  	v59 =	vshrl.u32 v3, $0x3  }
0x66: {  	v4 =	vmul.u32 $0x30, v59  }
0x67: {  	v3 =	vand.u32 $0x7, v3  }
0x68: {  	v3 =	vor.u32 v3, v4  }
0x69: {  	v4 =	vperm.xlane v3, v0;
	_ =	sdelay $0x1  }
0x6a: {  	v4 =	vadd.s32 v1, v4;
	_ =	sdelay $0x3  }
0x6b: {  	s0 =	rddreg [dreg:$0x16];
	v3 =	vperm.xlane v3, v2  }
0x6c: {  	[tilespmem:s0], [sflag:$0x1] =	stream.indirect_vreg.gather [hbm4b:s3+s2], $0x80, v4, vm0, $0xb8;
	[tilespmem:$0x18080] =	vst v63  }
0x6d: {  	s9 =	rddreg [dreg:$0x17];
	v3 =	vadd.s32 v1, v3  }
0x6e: {  	[tilespmem:s9], [sflag:$0x1] =	stream.indirect_vreg.gather [hbm4b:s4+s2], $0x80, v4, vm0, $0xb8;
	[tilespmem:$0x18080] =	vst v63  }
0x6f: {  	s0 =	rddreg [dreg:$0x18]  }
0x70: {  	[tilespmem:s0], [sflag:$0x1] =	stream.indirect_vreg.gather [hbm4b:s5+s2], $0x80, v4, vm0, $0xb8;
	[tilespmem:$0x18080] =	vst v63  }
0x71: {  	s9 =	rddreg [dreg:$0x19]  }
0x72: {  	[tilespmem:s9], [sflag:$0x1] =	stream.indirect_vreg.gather [hbm4b:s3+s2], $0x80, v3, vm0, $0xb8;
	[tilespmem:$0x18080] =	vst v63  }
0x73: {  	s0 =	rddreg [dreg:$0x1a]  }
0x74: {  	[tilespmem:s0], [sflag:$0x1] =	stream.indirect_vreg.gather [hbm4b:s4+s2], $0x80, v3, vm0, $0xb8;
	[tilespmem:$0x18080] =	vst v63  }
0x75: {  	s9 =	rddreg [dreg:$0x1b]  }
0x76: {  	[tilespmem:s9], [sflag:$0x1] =	stream.indirect_vreg.gather [hbm4b:s5+s2], $0x80, v3, vm0, $0xb8;
	[tilespmem:$0x18080] =	vst v63  }
0x77: {  	v3 =	vld [tilespmem:$0x40];
	_ =	sdelay $0x4  }
0x78: {  	v60 =	vshrl.u32 v3, $0x3  }
0x79: {  	v4 =	vmul.u32 $0x30, v60  }
0x7a: {  	v3 =	vand.u32 $0x7, v3  }
0x7b: {  	v3 =	vor.u32 v3, v4  }
0x7c: {  	v4 =	vperm.xlane v3, v0;
	_ =	sdelay $0x1  }
0x7d: {  	v4 =	vadd.s32 v1, v4;
	_ =	sdelay $0x3  }
0x7e: {  	s0 =	rddreg [dreg:$0x1c];
	v3 =	vperm.xlane v3, v2  }
0x7f: {  	[tilespmem:s0], [sflag:$0x1] =	stream.indirect_vreg.gather [hbm4b:s3+s2], $0x80, v4, vm0, $0xb8;
	[tilespmem:$0x18080] =	vst v63  }
0x80: {  	s9 =	rddreg [dreg:$0x1d];
	v3 =	vadd.s32 v1, v3  }
0x81: {  	[tilespmem:s9], [sflag:$0x1] =	stream.indirect_vreg.gather [hbm4b:s4+s2], $0x80, v4, vm0, $0xb8;
	[tilespmem:$0x18080] =	vst v63  }
0x82: {  	s9 =	simm.s32 $0xD080  }
0x83: {  	[tilespmem:s9], [sflag:$0x1] =	stream.indirect_vreg.gather [hbm4b:s5+s2], $0x80, v4, vm0, $0xb8;
	[tilespmem:$0x18080] =	vst v63  }
0x84: {  	_ = 	snop  }
0x85: {  	[tilespmem:s10], [sflag:$0x1] =	stream.indirect_vreg.gather [hbm4b:s3+s2], $0x80, v3, vm0, $0xb8;
	[tilespmem:$0x18080] =	vst v63  }
0x86: {  	_ = 	snop  }
0x87: {  	[tilespmem:s11], [sflag:$0x1] =	stream.indirect_vreg.gather [hbm4b:s4+s2], $0x80, v3, vm0, $0xb8;
	[tilespmem:$0x18080] =	vst v63  }
0x88: {  	_ = 	snop  }
0x89: {  	[tilespmem:s12], [sflag:$0x1] =	stream.indirect_vreg.gather [hbm4b:s5+s2], $0x80, v3, vm0, $0xb8;
	[tilespmem:$0x18080] =	vst v63  }
0x8a: {  	v3 =	vld [tilespmem:$0x50];
	_ =	sdelay $0x4  }
0x8b: {  	v61 =	vshrl.u32 v3, $0x3  }
0x8c: {  	v4 =	vmul.u32 $0x30, v61  }
0x8d: {  	v3 =	vand.u32 $0x7, v3  }
0x8e: {  	v3 =	vor.u32 v3, v4  }
0x8f: {  	v4 =	vperm.xlane v3, v0;
	_ =	sdelay $0x1  }
0x90: {  	v4 =	vadd.s32 v1, v4;
	_ =	sdelay $0x3  }
0x91: {  	v3 =	vperm.xlane v3, v2  }
0x92: {  	[tilespmem:s13], [sflag:$0x1] =	stream.indirect_vreg.gather [hbm4b:s3+s2], $0x80, v4, vm0, $0xb8;
	[tilespmem:$0x18080] =	vst v63  }
0x93: {  	v3 =	vadd.s32 v1, v3  }
0x94: {  	[tilespmem:s14], [sflag:$0x1] =	stream.indirect_vreg.gather [hbm4b:s4+s2], $0x80, v4, vm0, $0xb8;
	[tilespmem:$0x18080] =	vst v63  }
0x95: {  	_ = 	snop  }
0x96: {  	[tilespmem:s15], [sflag:$0x1] =	stream.indirect_vreg.gather [hbm4b:s5+s2], $0x80, v4, vm0, $0xb8;
	[tilespmem:$0x18080] =	vst v63  }
0x97: {  	_ = 	snop  }
0x98: {  	[tilespmem:s16], [sflag:$0x1] =	stream.indirect_vreg.gather [hbm4b:s3+s2], $0x80, v3, vm0, $0xb8;
	[tilespmem:$0x18080] =	vst v63  }
0x99: {  	_ = 	snop  }
0x9a: {  	[tilespmem:s17], [sflag:$0x1] =	stream.indirect_vreg.gather [hbm4b:s4+s2], $0x80, v3, vm0, $0xb8;
	[tilespmem:$0x18080] =	vst v63  }
0x9b: {  	_ = 	snop  }
0x9c: {  	[tilespmem:s18], [sflag:$0x1] =	stream.indirect_vreg.gather [hbm4b:s5+s2], $0x80, v3, vm0, $0xb8;
	[tilespmem:$0x18080] =	vst v63  }
0x9d: {  	v3 =	vld [tilespmem:$0x60];
	_ =	sdelay $0x4  }
0x9e: {  	v62 =	vshrl.u32 v3, $0x3  }
0x9f: {  	v4 =	vmul.u32 $0x30, v62  }
0xa0: {  	v3 =	vand.u32 $0x7, v3  }
0xa1: {  	v3 =	vor.u32 v3, v4  }
0xa2: {  	v4 =	vperm.xlane v3, v0;
	_ =	sdelay $0x1  }
0xa3: {  	v4 =	vadd.s32 v1, v4;
	_ =	sdelay $0x3  }
0xa4: {  	v3 =	vperm.xlane v3, v2  }
0xa5: {  	[tilespmem:s19], [sflag:$0x1] =	stream.indirect_vreg.gather [hbm4b:s3+s2], $0x80, v4, vm0, $0xb8;
	[tilespmem:$0x18080] =	vst v63  }
0xa6: {  	v3 =	vadd.s32 v1, v3  }
0xa7: {  	[tilespmem:s20], [sflag:$0x1] =	stream.indirect_vreg.gather [hbm4b:s4+s2], $0x80, v4, vm0, $0xb8;
	[tilespmem:$0x18080] =	vst v63  }
0xa8: {  	_ = 	snop  }
0xa9: {  	[tilespmem:s21], [sflag:$0x1] =	stream.indirect_vreg.gather [hbm4b:s5+s2], $0x80, v4, vm0, $0xb8;
	[tilespmem:$0x18080] =	vst v63  }
0xaa: {  	_ = 	snop  }
0xab: {  	[tilespmem:s22], [sflag:$0x1] =	stream.indirect_vreg.gather [hbm4b:s3+s2], $0x80, v3, vm0, $0xb8;
	[tilespmem:$0x18080] =	vst v63  }
0xac: {  	_ = 	snop  }
0xad: {  	[tilespmem:s23], [sflag:$0x1] =	stream.indirect_vreg.gather [hbm4b:s4+s2], $0x80, v3, vm0, $0xb8;
	[tilespmem:$0x18080] =	vst v63  }
0xae: {  	_ = 	snop  }
0xaf: {  	[tilespmem:s24], [sflag:$0x1] =	stream.indirect_vreg.gather [hbm4b:s5+s2], $0x80, v3, vm0, $0xb8;
	[tilespmem:$0x18080] =	vst v63  }
0xb0: {  	v3 =	vld [tilespmem:$0x70];
	_ =	sdelay $0x4  }
0xb1: {  	v63 =	vshrl.u32 v3, $0x3  }
0xb2: {  	v4 =	vmul.u32 $0x30, v63  }
0xb3: {  	v3 =	vand.u32 $0x7, v3  }
0xb4: {  	v3 =	vor.u32 v3, v4  }
0xb5: {  	v4 =	vperm.xlane v3, v0;
	_ =	sdelay $0x1  }
0xb6: {  	v4 =	vadd.s32 v1, v4;
	_ =	sdelay $0x3  }
0xb7: {  	v3 =	vperm.xlane v3, v2  }
0xb8: {  	[tilespmem:s25], [sflag:$0x1] =	stream.indirect_vreg.gather [hbm4b:s3+s2], $0x80, v4, vm0, $0xb8;
	[tilespmem:$0x18080] =	vst v63  }
0xb9: {  	v3 =	vadd.s32 v1, v3  }
0xba: {  	[tilespmem:s26], [sflag:$0x1] =	stream.indirect_vreg.gather [hbm4b:s4+s2], $0x80, v4, vm0, $0xb8;
	[tilespmem:$0x18080] =	vst v63  }
0xbb: {  	_ = 	snop  }
0xbc: {  	[tilespmem:s28], [sflag:$0x1] =	stream.indirect_vreg.gather [hbm4b:s5+s2], $0x80, v4, vm0, $0xb8;
	[tilespmem:$0x18080] =	vst v63  }
0xbd: {  	_ = 	snop  }
0xbe: {  	[tilespmem:s29], [sflag:$0x1] =	stream.indirect_vreg.gather [hbm4b:s3+s2], $0x80, v3, vm0, $0xb8;
	[tilespmem:$0x18080] =	vst v63  }
0xbf: {  	_ = 	snop  }
0xc0: {  	[tilespmem:s30], [sflag:$0x1] =	stream.indirect_vreg.gather [hbm4b:s4+s2], $0x80, v3, vm0, $0xb8;
	[tilespmem:$0x18080] =	vst v63  }
0xc1: {  	_ = 	snop  }
0xc2: {  	[tilespmem:s31], [sflag:$0x1] =	stream.indirect_vreg.gather [hbm4b:s5+s2], $0x80, v3, vm0, $0xb8;
	[tilespmem:$0x18080] =	vst v63  }
0xc3: {  	_ =	swait.ge [sflag:s1], $0x18000  }
0xc4: {  	p0 =	sne.s32 s6, $0x1;
	[sflag:s1] =	ssyncset.done $0x0  }
.Ltmp0:
0xc5: {  	s9 =	rddreg [dreg:$0x4];
	[sflag:s1] =	ssyncadd.s32 $0xFFFE8000;
	(pc) =	sbr.rel @p0 .LBB2_1-.Ltmp0, $4  }
0xc6: {  	[hbm4b:s9+s2] =	stream.linear.scatter [tilespmem:s8], [sflag:$0x2], $0x18000, $0x38;
	[tilespmem:$0x18080] =	vst v63  }
0xc7: {  	_ =	swait.ge [sflag:s7], $0x18000  }
0xc8: {  	[sflag:s7] =	ssyncset.done $0x0  }
0xc9: {  	s6 =	sadd.s32 $0xFFFFFFFF, s6;
	[sflag:s7] =	ssyncadd.s32 $0xFFFE8000  }
0xca: {  	_ =	sfence.sel $0x180000  }
0xcb: {  	[bflag:$0x0] =	sbarrier.arrive $0xFFFF  }
0xcc: {  	_ =	strace $0x9000004A  }
0xcd: {  	s0 =	stileid.u32;
	[bflag:$0x2] =	sbarrier.arrive $0xFFFF  }
0xce: {  	p0 =	sne.s32 s0, $0x0;
	s0 =	rddreg [dreg:$0x2]  }
0xcf: {  	s0 =	sadd.s32 @!p0 $0x100000, s0  }
0xd0: {  	[sflag:s0] =	ssyncadd.tile.s32 @!p0 $0x1;
	_ =	shalt  }
.Lfunc_end2:
_tile_overlayer_lowered:
.L_overlay_start_2:
0xd1: {  	(tag) =	ssettag $0x2  }
0xd2: {  	s0 =	rddreg [dreg:$0x0];
	s2 =	stileid.u32  }
0xd3: {  	s1 =	rddreg [dreg:$0x1];
	p0 =	sne.s32 s2, $0x0  }
0xd4: {  	s3 =	rddreg [dreg:$0x2];
	[bflag:$0x3] =	sbarrier.arrive $0xFFFF;
	s2 =	simm.s32 @!p0 $0x1C02  }
0xd5: {  	[timem:s3], [sflag:s2] =	dma.local @!p0 [hbm:s0], s1  }
0xd6: {  	s0 =	simm.s32 @!p0 $0x2  }
0xd7: {  	_ =	swait.ge @!p0 [sflag:s0], s1  }
0xd8: {  	s1 =	ssub.s32 @!p0 $0x0, s1;
	[sflag:s0] =	ssyncset.done @!p0 $0x0  }
0xd9: {  	[sflag:s0] =	ssyncadd.s32 @!p0 s1  }
0xda: {  	[bflag:$0x3] =	sbarrier.arrive $0xFFFF  }
0xdb: {  	_ =	shalt  }

</sc_bundles>
